<compile_context>
chip_gen: v7x
topology: tpu7x:2x2x1
jax: 0.10.2.dev20260603
libtpu: 0.0.44.dev20260713+nightly
codegen_flags: <defaults>
</compile_context>

<pallas_src>
import numpy as np
import jax
import jax.numpy as jnp
from jax import lax
from jax.experimental import pallas as pl
from jax.experimental.pallas import tpu as pltpu
from jax.experimental.pallas import tpu_sc as plsc

jax.config.update("jax_enable_x64", True)

B = 16384
D = 128
NC = 2
NS = 16
NW = NC * NS
B_PER_W = B // NW

_ZEROS_A = np.zeros((12, 6, 256), dtype=np.float64)
_ZEROS_B = np.zeros((12, 32, 256), dtype=np.float64)
_ZEROS_C = np.zeros((12, 256), dtype=np.float64)


def _sc_body(
    table_hbm, idx_hbm, a_hbm, b_hbm, p3_hbm,
    out_hbm, head_hbm, and_hbm, any_hbm, p3out_hbm,
    idx_v, rows_v, head_v, a_v, b_v, and_v, any_v, p3_v, sem, sem2, wsem,
):
    cid = lax.axis_index("c")
    sid = lax.axis_index("s")
    wid = sid * NC + cid
    base = wid * B_PER_W
    half = B_PER_W // 2
    pltpu.sync_copy(idx_hbm.at[pl.ds(base, B_PER_W)], idx_v)
    g0 = pltpu.async_copy(
        table_hbm.at[idx_v.at[pl.ds(0, half)]], rows_v.at[pl.ds(0, half)], sem
    )
    g1 = pltpu.async_copy(
        table_hbm.at[idx_v.at[pl.ds(half, half)]], rows_v.at[pl.ds(half, half)], sem2
    )
    g0.wait()
    w0 = pltpu.async_copy(
        rows_v.at[pl.ds(0, half)], out_hbm.at[pl.ds(base, half)], wsem
    )
    g1.wait()
    pltpu.sync_copy(rows_v.at[pl.ds(half, half)], out_hbm.at[pl.ds(base + half, half)])
    w0.wait()

    @pl.when(jnp.logical_and(cid == 0, sid == 0))
    def _():
        pltpu.sync_copy(table_hbm.at[jnp.int32(0)], head_v)
        pltpu.sync_copy(head_v.at[pl.ds(0, 5)], head_hbm)
        pltpu.sync_copy(p3_hbm, p3_v)
        pltpu.sync_copy(p3_v, p3out_hbm)

    mi = jnp.minimum(sid, 11)
    pltpu.sync_copy(a_hbm.at[mi], a_v)
    pltpu.sync_copy(b_hbm.at[mi], b_v)
    for j in range(6):
        cnt = jnp.zeros((16,), jnp.int32)
        for k in range(2):
            a16 = a_v[j, pl.ds(k * 16, 16)]
            b16 = b_v[j, pl.ds(k * 16, 16)]
            notand = jnp.minimum(a16 | b16, 1)
            and_v[j, pl.ds(k * 16, 16)] = 1 - notand
            cnt = cnt | notand
        any_v[j, :] = cnt

    @pl.when(jnp.logical_and(cid == 1, sid < 12))
    def _():
        pltpu.sync_copy(and_v, and_hbm.at[mi])
        pltpu.sync_copy(any_v, any_hbm.at[mi])


def _sc_call(table, idx_i32, a_i32, b_i32, p3):
    mesh = plsc.VectorSubcoreMesh(core_axis_name="c", subcore_axis_name="s")
    return pl.kernel(
        _sc_body,
        mesh=mesh,
        out_type=(
            jax.ShapeDtypeStruct((B, D), jnp.float32),
            jax.ShapeDtypeStruct((5,), jnp.float32),
            jax.ShapeDtypeStruct((12, 6, 32), jnp.int32),
            jax.ShapeDtypeStruct((12, 6, 16), jnp.int32),
            jax.ShapeDtypeStruct((12, 128), jnp.float32),
        ),
        scratch_types=[
            pltpu.VMEM((B_PER_W,), jnp.int32),
            pltpu.VMEM((B_PER_W, D), jnp.float32),
            pltpu.VMEM((D,), jnp.float32),
            pltpu.VMEM((6, 32), jnp.int32),
            pltpu.VMEM((6, 32), jnp.int32),
            pltpu.VMEM((6, 32), jnp.int32),
            pltpu.VMEM((6, 16), jnp.int32),
            pltpu.VMEM((12, 128), jnp.float32),
            pltpu.SemaphoreType.DMA,
            pltpu.SemaphoreType.DMA,
            pltpu.SemaphoreType.DMA,
        ],
    )(table, idx_i32, a_i32, b_i32, p3)


def kernel(primals_1, primals_2, primals_3, primals_4):
    select_1_i32 = primals_2[:, 0, 2].astype(jnp.int32)

    a = primals_1[:, :, :, 1].astype(jnp.int32)
    b = primals_1[:, :, :, 0].astype(jnp.int32)
    select_2 = a.astype(jnp.int64)
    select_3 = b.astype(jnp.int64)

    index, device_put, and_i32, any_i32, p3_out = _sc_call(
        primals_4, select_1_i32, a, b, primals_3
    )
    bitwise_and = and_i32.astype(jnp.bool_)
    bitwise_not = jnp.max(any_i32, axis=2, keepdims=True) > 0

    select_1 = select_1_i32.astype(jnp.int64)

    return (
        device_put,
        p3_out,
        jnp.asarray(_ZEROS_A),
        jnp.asarray(_ZEROS_B),
        jnp.asarray(_ZEROS_C),
        select_2,
        select_3,
        bitwise_and,
        bitwise_not,
        index,
        select_1,
    )

# --- scband reference (transcript-rebuilt; emitter-appended) ---
"""Pipeline reference for scband-repro-87402584474061 (READ-ONLY COPY).

The authoritative reference and input builder live on the scoring server;
editing this copy changes nothing except your own understanding.
"""

import jax, jax.numpy as jnp
import numpy as np

jax.config.update("jax_enable_x64", True)


def setup_inputs(seed: int = 0) -> dict:
    key = jax.random.key(seed)
    k1, k2, k3, k4 = jax.random.split(key, 4)
    primals_1 = jax.random.randint(k1, (12, 6, 32, 2), 0, 2, dtype=jnp.int64)
    primals_2 = jax.random.randint(k2, (16384, 20, 3), 0, 1000000, dtype=jnp.int64)
    primals_3 = jax.random.normal(k3, (12, 128), dtype=jnp.float32)
    primals_4 = jax.random.normal(k4, (1000000, 128), dtype=jnp.float32)
    return {"primals_1": primals_1, "primals_2": primals_2, "primals_3": primals_3, "primals_4": primals_4}


def reference(primals_1, primals_2, primals_3, primals_4):
    # aten.full.default constants
    full_default = jnp.zeros((12, 6, 256), dtype=jnp.float64)
    full_default_1 = jnp.zeros((12, 32, 256), dtype=jnp.float64)
    full_default_2 = jnp.zeros((12, 256), dtype=jnp.float64)
    # select(primals_2, dim=2, index=2) then select(dim=1, index=0)
    select = primals_2[:, :, 2]
    select_1 = select[:, 0]
    # select(primals_1, dim=3, index=1) / index=0
    select_2 = primals_1[:, :, :, 1]
    select_3 = primals_1[:, :, :, 0]
    eq = select_2 == 0
    eq_1 = select_3 == 0
    bitwise_and = jnp.logical_and(eq, eq_1)
    logical_not = jnp.logical_not(bitwise_and)
    any_1 = jnp.any(logical_not, axis=-1)
    logical_not_1 = jnp.logical_not(any_1)
    view = logical_not_1.reshape(12, 6, 1)
    bitwise_not = jnp.logical_not(view)
    # embedding-style gather: primals_4[select_1]
    index = jnp.take(primals_4, select_1, axis=0)
    select_4 = primals_4[0]
    slice_10 = select_4[0:5]
    device_put = slice_10  # aten device_put to cpu is a no-op numerically
    return (device_put, primals_3, full_default, full_default_1, full_default_2, select_2, select_3, bitwise_and, bitwise_not, index, select_1)

if __name__ == "__main__":
    import jax
    _d = setup_inputs()
    print(jax.jit(kernel)(*tuple(_d.values())))

</pallas_src>

<mosaic_0001>
#map = affine_map<(d0, d1) -> (0, 0)>
#map1 = affine_map<(d0, d1) -> (0)>
#map2 = affine_map<(d0, d1) -> (0, 0, 0)>
module attributes {stable_mosaic.version = 14 : i64} {
  func.func @_sc_body(%arg0: i32, %arg1: i32, %arg2: memref<1000000x128xf32, #tpu.memory_space<hbm>>, %arg3: memref<16384xi32, #tpu.memory_space<hbm>>, %arg4: memref<12x6x32xi32, #tpu.memory_space<hbm>>, %arg5: memref<12x6x32xi32, #tpu.memory_space<hbm>>, %arg6: memref<12x128xf32, #tpu.memory_space<hbm>>, %arg7: memref<16384x128xf32, #tpu.memory_space<hbm>>, %arg8: memref<5xf32, #tpu.memory_space<hbm>>, %arg9: memref<12x6x32xi32, #tpu.memory_space<hbm>>, %arg10: memref<12x6x16xi32, #tpu.memory_space<hbm>>, %arg11: memref<12x128xf32, #tpu.memory_space<hbm>>, %arg12: memref<512xi32, #tpu.memory_space<vmem>>, %arg13: memref<512x128xf32, #tpu.memory_space<vmem>>, %arg14: memref<128xf32, #tpu.memory_space<vmem>>, %arg15: memref<6x32xi32, #tpu.memory_space<vmem>>, %arg16: memref<6x32xi32, #tpu.memory_space<vmem>>, %arg17: memref<6x32xi32, #tpu.memory_space<vmem>>, %arg18: memref<6x16xi32, #tpu.memory_space<vmem>>, %arg19: memref<12x128xf32, #tpu.memory_space<vmem>>, %arg20: memref<!tpu.dma_semaphore, #tpu.memory_space<semaphore_mem>>, %arg21: memref<!tpu.dma_semaphore, #tpu.memory_space<semaphore_mem>>, %arg22: memref<!tpu.dma_semaphore, #tpu.memory_space<semaphore_mem>>) attributes {dimension_semantics = [#tpu.dimension_semantics<core_parallel>, #tpu.dimension_semantics<subcore_parallel>], iteration_bounds = array<i64: 2, 16>, scalar_prefetch = 0 : i64, scratch_operands = 11 : i64, tpu.core_type = #tpu.core_type<sc_vector_subcore>, window_params = [{transform_indices = #map}, {transform_indices = #map1}, {transform_indices = #map2}, {transform_indices = #map2}, {transform_indices = #map}, {transform_indices = #map}, {transform_indices = #map1}, {transform_indices = #map2}, {transform_indices = #map2}, {transform_indices = #map}]} {
    %mul3A = arith.constant 2 : i32
    %mul3A_0 = arith.muli %arg1, %mul3A : i32
    %add3A = arith.addi %mul3A_0, %arg0 : i32
    %mul3A_1 = arith.constant 512 : i32
    %mul3A_2 = arith.muli %add3A, %mul3A_1 : i32
    "tpu.region"() ({
      %run_scoped3A = tpu.sem_alloc : memref<!tpu.dma_semaphore, #tpu.memory_space<semaphore_mem>>
      %dma_start3A_398 = tpu.memref_slice %arg3[%mul3A_2] : memref<16384xi32, #tpu.memory_space<hbm>> -> memref<512xi32, #tpu.memory_space<hbm>>
      %dma_start3A_399 = tpu.memref_slice %arg3[%mul3A_2] : memref<16384xi32, #tpu.memory_space<hbm>> -> memref<512xi32, #tpu.memory_space<hbm>>
      tpu.enqueue_dma source(%dma_start3A_399 : memref<512xi32, #tpu.memory_space<hbm>>) target(%arg12 : memref<512xi32, #tpu.memory_space<vmem>>) target_semaphore(%run_scoped3A : memref<!tpu.dma_semaphore, #tpu.memory_space<semaphore_mem>>)
      %dma_wait3A_400 = tpu.memref_slice %arg3[%mul3A_2] : memref<16384xi32, #tpu.memory_space<hbm>> -> memref<512xi32, #tpu.memory_space<hbm>>
      %dma_wait3A_401 = tpu.memref_slice %arg3[%mul3A_2] : memref<16384xi32, #tpu.memory_space<hbm>> -> memref<512xi32, #tpu.memory_space<hbm>>
      tpu.wait_dma2 semaphore(%run_scoped3A : memref<!tpu.dma_semaphore, #tpu.memory_space<semaphore_mem>>) src(%dma_wait3A_401 : memref<512xi32, #tpu.memory_space<hbm>>) dst(%arg12 : memref<512xi32, #tpu.memory_space<vmem>>)
      tpu.yield
    }) : () -> ()
    %dma_start3A = arith.constant 0 : i32
    %dma_start3A_3 = arith.constant 0 : i32
    %dma_start3A_4 = tpu.memref_slice %arg13[%dma_start3A, %dma_start3A_3] : memref<512x128xf32, #tpu.memory_space<vmem>> -> memref<256x128xf32, #tpu.memory_space<vmem>>
    %dma_start3A_5 = arith.constant 0 : i32
    %dma_start3A_6 = tpu.memref_slice %arg12[%dma_start3A_5] : memref<512xi32, #tpu.memory_space<vmem>> -> memref<256xi32, #tpu.memory_space<vmem>>
    %dma_start3A_7 = arith.constant 0 : i32
    %dma_start3A_8 = arith.constant 0 : i32
    %dma_start3A_9 = tpu.memref_slice %arg2[%dma_start3A_7, %dma_start3A_8] : memref<1000000x128xf32, #tpu.memory_space<hbm>> -> memref<1000000x128xf32, #tpu.memory_space<hbm>>
    tpu.enqueue_indirect_dma source(%dma_start3A_9 : memref<1000000x128xf32, #tpu.memory_space<hbm>>) target(%dma_start3A_4 : memref<256x128xf32, #tpu.memory_space<vmem>>) offsets(%dma_start3A_6 : memref<256xi32, #tpu.memory_space<vmem>>) semaphore(%arg20 : memref<!tpu.dma_semaphore, #tpu.memory_space<semaphore_mem>>)
    %dma_start3A_10 = arith.constant 256 : i32
    %dma_start3A_11 = arith.constant 0 : i32
    %dma_start3A_12 = tpu.memref_slice %arg13[%dma_start3A_10, %dma_start3A_11] : memref<512x128xf32, #tpu.memory_space<vmem>> -> memref<256x128xf32, #tpu.memory_space<vmem>>
    %dma_start3A_13 = arith.constant 256 : i32
    %dma_start3A_14 = tpu.memref_slice %arg12[%dma_start3A_13] : memref<512xi32, #tpu.memory_space<vmem>> -> memref<256xi32, #tpu.memory_space<vmem>>
    %dma_start3A_15 = arith.constant 0 : i32
    %dma_start3A_16 = arith.constant 0 : i32
    %dma_start3A_17 = tpu.memref_slice %arg2[%dma_start3A_15, %dma_start3A_16] : memref<1000000x128xf32, #tpu.memory_space<hbm>> -> memref<1000000x128xf32, #tpu.memory_space<hbm>>
    tpu.enqueue_indirect_dma source(%dma_start3A_17 : memref<1000000x128xf32, #tpu.memory_space<hbm>>) target(%dma_start3A_12 : memref<256x128xf32, #tpu.memory_space<vmem>>) offsets(%dma_start3A_14 : memref<256xi32, #tpu.memory_space<vmem>>) semaphore(%arg21 : memref<!tpu.dma_semaphore, #tpu.memory_space<semaphore_mem>>)
    %dma_wait3A = arith.constant 0 : i32
    %dma_wait3A_18 = arith.constant 0 : i32
    %dma_wait3A_19 = tpu.memref_slice %arg13[%dma_wait3A, %dma_wait3A_18] : memref<512x128xf32, #tpu.memory_space<vmem>> -> memref<256x128xf32, #tpu.memory_space<vmem>>
    %dma_wait3A_20 = arith.constant 0 : i32
    %dma_wait3A_21 = tpu.memref_slice %arg12[%dma_wait3A_20] : memref<512xi32, #tpu.memory_space<vmem>> -> memref<256xi32, #tpu.memory_space<vmem>>
    %dma_wait3A_22 = arith.constant 0 : i32
    %dma_wait3A_23 = arith.constant 0 : i32
    %dma_wait3A_24 = tpu.memref_slice %arg2[%dma_wait3A_22, %dma_wait3A_23] : memref<1000000x128xf32, #tpu.memory_space<hbm>> -> memref<1000000x128xf32, #tpu.memory_space<hbm>>
    tpu.wait_indirect_dma semaphore(%arg20 : memref<!tpu.dma_semaphore, #tpu.memory_space<semaphore_mem>>) src(%dma_wait3A_24 : memref<1000000x128xf32, #tpu.memory_space<hbm>>) dst(%dma_wait3A_19 : memref<256x128xf32, #tpu.memory_space<vmem>>)
    %dma_start3A_25 = arith.constant 0 : i32
    %dma_start3A_26 = arith.constant 0 : i32
    %dma_start3A_27 = tpu.memref_slice %arg13[%dma_start3A_25, %dma_start3A_26] : memref<512x128xf32, #tpu.memory_space<vmem>> -> memref<256x128xf32, #tpu.memory_space<vmem>>
    %dma_start3A_28 = arith.constant 0 : i32
    %dma_start3A_29 = tpu.memref_slice %arg7[%mul3A_2, %dma_start3A_28] : memref<16384x128xf32, #tpu.memory_space<hbm>> -> memref<256x128xf32, #tpu.memory_space<hbm>>
    %dma_start3A_30 = arith.constant 0 : i32
    %dma_start3A_31 = tpu.memref_slice %arg7[%mul3A_2, %dma_start3A_30] : memref<16384x128xf32, #tpu.memory_space<hbm>> -> memref<256x128xf32, #tpu.memory_space<hbm>>
    %dma_start3A_32 = arith.constant 0 : i32
    %dma_start3A_33 = arith.constant 0 : i32
    %dma_start3A_34 = tpu.memref_slice %arg13[%dma_start3A_32, %dma_start3A_33] : memref<512x128xf32, #tpu.memory_space<vmem>> -> memref<256x128xf32, #tpu.memory_space<vmem>>
    tpu.enqueue_dma source(%dma_start3A_34 : memref<256x128xf32, #tpu.memory_space<vmem>>) target(%dma_start3A_31 : memref<256x128xf32, #tpu.memory_space<hbm>>) target_semaphore(%arg22 : memref<!tpu.dma_semaphore, #tpu.memory_space<semaphore_mem>>)
    %dma_wait3A_35 = arith.constant 256 : i32
    %dma_wait3A_36 = arith.constant 0 : i32
    %dma_wait3A_37 = tpu.memref_slice %arg13[%dma_wait3A_35, %dma_wait3A_36] : memref<512x128xf32, #tpu.memory_space<vmem>> -> memref<256x128xf32, #tpu.memory_space<vmem>>
    %dma_wait3A_38 = arith.constant 256 : i32
    %dma_wait3A_39 = tpu.memref_slice %arg12[%dma_wait3A_38] : memref<512xi32, #tpu.memory_space<vmem>> -> memref<256xi32, #tpu.memory_space<vmem>>
    %dma_wait3A_40 = arith.constant 0 : i32
    %dma_wait3A_41 = arith.constant 0 : i32
    %dma_wait3A_42 = tpu.memref_slice %arg2[%dma_wait3A_40, %dma_wait3A_41] : memref<1000000x128xf32, #tpu.memory_space<hbm>> -> memref<1000000x128xf32, #tpu.memory_space<hbm>>
    tpu.wait_indirect_dma semaphore(%arg21 : memref<!tpu.dma_semaphore, #tpu.memory_space<semaphore_mem>>) src(%dma_wait3A_42 : memref<1000000x128xf32, #tpu.memory_space<hbm>>) dst(%dma_wait3A_37 : memref<256x128xf32, #tpu.memory_space<vmem>>)
    %add3A_43 = arith.constant 256 : i32
    %add3A_44 = arith.addi %mul3A_2, %add3A_43 : i32
    "tpu.region"() ({
      %run_scoped3A = tpu.sem_alloc : memref<!tpu.dma_semaphore, #tpu.memory_space<semaphore_mem>>
      %dma_start3A_398 = arith.constant 256 : i32
      %dma_start3A_399 = arith.constant 0 : i32
      %dma_start3A_400 = tpu.memref_slice %arg13[%dma_start3A_398, %dma_start3A_399] : memref<512x128xf32, #tpu.memory_space<vmem>> -> memref<256x128xf32, #tpu.memory_space<vmem>>
      %dma_start3A_401 = arith.constant 0 : i32
      %dma_start3A_402 = tpu.memref_slice %arg7[%add3A_44, %dma_start3A_401] : memref<16384x128xf32, #tpu.memory_space<hbm>> -> memref<256x128xf32, #tpu.memory_space<hbm>>
      %dma_start3A_403 = arith.constant 0 : i32
      %dma_start3A_404 = tpu.memref_slice %arg7[%add3A_44, %dma_start3A_403] : memref<16384x128xf32, #tpu.memory_space<hbm>> -> memref<256x128xf32, #tpu.memory_space<hbm>>
      %dma_start3A_405 = arith.constant 256 : i32
      %dma_start3A_406 = arith.constant 0 : i32
      %dma_start3A_407 = tpu.memref_slice %arg13[%dma_start3A_405, %dma_start3A_406] : memref<512x128xf32, #tpu.memory_space<vmem>> -> memref<256x128xf32, #tpu.memory_space<vmem>>
      tpu.enqueue_dma source(%dma_start3A_407 : memref<256x128xf32, #tpu.memory_space<vmem>>) target(%dma_start3A_404 : memref<256x128xf32, #tpu.memory_space<hbm>>) target_semaphore(%run_scoped3A : memref<!tpu.dma_semaphore, #tpu.memory_space<semaphore_mem>>)
      %dma_wait3A_408 = arith.constant 256 : i32
      %dma_wait3A_409 = arith.constant 0 : i32
      %dma_wait3A_410 = tpu.memref_slice %arg13[%dma_wait3A_408, %dma_wait3A_409] : memref<512x128xf32, #tpu.memory_space<vmem>> -> memref<256x128xf32, #tpu.memory_space<vmem>>
      %dma_wait3A_411 = arith.constant 0 : i32
      %dma_wait3A_412 = tpu.memref_slice %arg7[%add3A_44, %dma_wait3A_411] : memref<16384x128xf32, #tpu.memory_space<hbm>> -> memref<256x128xf32, #tpu.memory_space<hbm>>
      %dma_wait3A_413 = arith.constant 0 : i32
      %dma_wait3A_414 = tpu.memref_slice %arg7[%add3A_44, %dma_wait3A_413] : memref<16384x128xf32, #tpu.memory_space<hbm>> -> memref<256x128xf32, #tpu.memory_space<hbm>>
      %dma_wait3A_415 = arith.constant 256 : i32
      %dma_wait3A_416 = arith.constant 0 : i32
      %dma_wait3A_417 = tpu.memref_slice %arg13[%dma_wait3A_415, %dma_wait3A_416] : memref<512x128xf32, #tpu.memory_space<vmem>> -> memref<256x128xf32, #tpu.memory_space<vmem>>
      tpu.wait_dma2 semaphore(%run_scoped3A : memref<!tpu.dma_semaphore, #tpu.memory_space<semaphore_mem>>) src(%dma_wait3A_417 : memref<256x128xf32, #tpu.memory_space<vmem>>) dst(%dma_wait3A_414 : memref<256x128xf32, #tpu.memory_space<hbm>>)
      tpu.yield
    }) : () -> ()
    %dma_wait3A_45 = arith.constant 0 : i32
    %dma_wait3A_46 = arith.constant 0 : i32
    %dma_wait3A_47 = tpu.memref_slice %arg13[%dma_wait3A_45, %dma_wait3A_46] : memref<512x128xf32, #tpu.memory_space<vmem>> -> memref<256x128xf32, #tpu.memory_space<vmem>>
    %dma_wait3A_48 = arith.constant 0 : i32
    %dma_wait3A_49 = tpu.memref_slice %arg7[%mul3A_2, %dma_wait3A_48] : memref<16384x128xf32, #tpu.memory_space<hbm>> -> memref<256x128xf32, #tpu.memory_space<hbm>>
    %dma_wait3A_50 = arith.constant 0 : i32
    %dma_wait3A_51 = tpu.memref_slice %arg7[%mul3A_2, %dma_wait3A_50] : memref<16384x128xf32, #tpu.memory_space<hbm>> -> memref<256x128xf32, #tpu.memory_space<hbm>>
    %dma_wait3A_52 = arith.constant 0 : i32
    %dma_wait3A_53 = arith.constant 0 : i32
    %dma_wait3A_54 = tpu.memref_slice %arg13[%dma_wait3A_52, %dma_wait3A_53] : memref<512x128xf32, #tpu.memory_space<vmem>> -> memref<256x128xf32, #tpu.memory_space<vmem>>
    tpu.wait_dma2 semaphore(%arg22 : memref<!tpu.dma_semaphore, #tpu.memory_space<semaphore_mem>>) src(%dma_wait3A_54 : memref<256x128xf32, #tpu.memory_space<vmem>>) dst(%dma_wait3A_51 : memref<256x128xf32, #tpu.memory_space<hbm>>)
    %eq3A = arith.constant 0 : i32
    %eq3A_55 = arith.cmpi eq, %arg0, %eq3A : i32
    %eq3A_56 = arith.constant 0 : i32
    %eq3A_57 = arith.cmpi eq, %arg1, %eq3A_56 : i32
    %and3A = arith.andi %eq3A_55, %eq3A_57 : i1
    %convert_element_type3A = arith.extui %and3A : i1 to i32
    %cond3A = arith.constant 0 : i32
    %cond3A_58 = arith.cmpi ne, %convert_element_type3A, %cond3A : i32
    scf.if %cond3A_58 {
      %run_scoped3A = arith.constant 0 : i32
      "tpu.region"() ({
        %run_scoped3A_398 = tpu.sem_alloc : memref<!tpu.dma_semaphore, #tpu.memory_space<semaphore_mem>>
        %dma_start3A_399 = arith.constant 0 : i32
        %dma_start3A_400 = tpu.memref_slice %arg2[%run_scoped3A, %dma_start3A_399] : memref<1000000x128xf32, #tpu.memory_space<hbm>> -> memref<1x128xf32, #tpu.memory_space<hbm>>
        %dma_start3A_401 = tpu.memref_squeeze %dma_start3A_400 : memref<1x128xf32, #tpu.memory_space<hbm>> -> memref<128xf32, #tpu.memory_space<hbm>>
        %dma_start3A_402 = arith.constant 0 : i32
        %dma_start3A_403 = tpu.memref_slice %arg2[%run_scoped3A, %dma_start3A_402] : memref<1000000x128xf32, #tpu.memory_space<hbm>> -> memref<1x128xf32, #tpu.memory_space<hbm>>
        %dma_start3A_404 = tpu.memref_squeeze %dma_start3A_403 : memref<1x128xf32, #tpu.memory_space<hbm>> -> memref<128xf32, #tpu.memory_space<hbm>>
        tpu.enqueue_dma source(%dma_start3A_404 : memref<128xf32, #tpu.memory_space<hbm>>) target(%arg14 : memref<128xf32, #tpu.memory_space<vmem>>) target_semaphore(%run_scoped3A_398 : memref<!tpu.dma_semaphore, #tpu.memory_space<semaphore_mem>>)
        %dma_wait3A_405 = arith.constant 0 : i32
        %dma_wait3A_406 = tpu.memref_slice %arg2[%run_scoped3A, %dma_wait3A_405] : memref<1000000x128xf32, #tpu.memory_space<hbm>> -> memref<1x128xf32, #tpu.memory_space<hbm>>
        %dma_wait3A_407 = tpu.memref_squeeze %dma_wait3A_406 : memref<1x128xf32, #tpu.memory_space<hbm>> -> memref<128xf32, #tpu.memory_space<hbm>>
        %dma_wait3A_408 = arith.constant 0 : i32
        %dma_wait3A_409 = tpu.memref_slice %arg2[%run_scoped3A, %dma_wait3A_408] : memref<1000000x128xf32, #tpu.memory_space<hbm>> -> memref<1x128xf32, #tpu.memory_space<hbm>>
        %dma_wait3A_410 = tpu.memref_squeeze %dma_wait3A_409 : memref<1x128xf32, #tpu.memory_space<hbm>> -> memref<128xf32, #tpu.memory_space<hbm>>
        tpu.wait_dma2 semaphore(%run_scoped3A_398 : memref<!tpu.dma_semaphore, #tpu.memory_space<semaphore_mem>>) src(%dma_wait3A_410 : memref<128xf32, #tpu.memory_space<hbm>>) dst(%arg14 : memref<128xf32, #tpu.memory_space<vmem>>)
        tpu.yield
      }) : () -> ()
      "tpu.region"() ({
        %run_scoped3A_398 = tpu.sem_alloc : memref<!tpu.dma_semaphore, #tpu.memory_space<semaphore_mem>>
        %dma_start3A_399 = arith.constant 0 : i32
        %dma_start3A_400 = tpu.memref_slice %arg14[%dma_start3A_399] : memref<128xf32, #tpu.memory_space<vmem>> -> memref<5xf32, #tpu.memory_space<vmem>>
        %dma_start3A_401 = arith.constant 0 : i32
        %dma_start3A_402 = tpu.memref_slice %arg14[%dma_start3A_401] : memref<128xf32, #tpu.memory_space<vmem>> -> memref<5xf32, #tpu.memory_space<vmem>>
        tpu.enqueue_dma source(%dma_start3A_402 : memref<5xf32, #tpu.memory_space<vmem>>) target(%arg8 : memref<5xf32, #tpu.memory_space<hbm>>) target_semaphore(%run_scoped3A_398 : memref<!tpu.dma_semaphore, #tpu.memory_space<semaphore_mem>>)
        %dma_wait3A_403 = arith.constant 0 : i32
        %dma_wait3A_404 = tpu.memref_slice %arg14[%dma_wait3A_403] : memref<128xf32, #tpu.memory_space<vmem>> -> memref<5xf32, #tpu.memory_space<vmem>>
        %dma_wait3A_405 = arith.constant 0 : i32
        %dma_wait3A_406 = tpu.memref_slice %arg14[%dma_wait3A_405] : memref<128xf32, #tpu.memory_space<vmem>> -> memref<5xf32, #tpu.memory_space<vmem>>
        tpu.wait_dma2 semaphore(%run_scoped3A_398 : memref<!tpu.dma_semaphore, #tpu.memory_space<semaphore_mem>>) src(%dma_wait3A_406 : memref<5xf32, #tpu.memory_space<vmem>>) dst(%arg8 : memref<5xf32, #tpu.memory_space<hbm>>)
        tpu.yield
      }) : () -> ()
      "tpu.region"() ({
        %run_scoped3A_398 = tpu.sem_alloc : memref<!tpu.dma_semaphore, #tpu.memory_space<semaphore_mem>>
        tpu.enqueue_dma source(%arg6 : memref<12x128xf32, #tpu.memory_space<hbm>>) target(%arg19 : memref<12x128xf32, #tpu.memory_space<vmem>>) target_semaphore(%run_scoped3A_398 : memref<!tpu.dma_semaphore, #tpu.memory_space<semaphore_mem>>)
        tpu.wait_dma2 semaphore(%run_scoped3A_398 : memref<!tpu.dma_semaphore, #tpu.memory_space<semaphore_mem>>) src(%arg6 : memref<12x128xf32, #tpu.memory_space<hbm>>) dst(%arg19 : memref<12x128xf32, #tpu.memory_space<vmem>>)
        tpu.yield
      }) : () -> ()
      "tpu.region"() ({
        %run_scoped3A_398 = tpu.sem_alloc : memref<!tpu.dma_semaphore, #tpu.memory_space<semaphore_mem>>
        tpu.enqueue_dma source(%arg19 : memref<12x128xf32, #tpu.memory_space<vmem>>) target(%arg11 : memref<12x128xf32, #tpu.memory_space<hbm>>) target_semaphore(%run_scoped3A_398 : memref<!tpu.dma_semaphore, #tpu.memory_space<semaphore_mem>>)
        tpu.wait_dma2 semaphore(%run_scoped3A_398 : memref<!tpu.dma_semaphore, #tpu.memory_space<semaphore_mem>>) src(%arg19 : memref<12x128xf32, #tpu.memory_space<vmem>>) dst(%arg11 : memref<12x128xf32, #tpu.memory_space<hbm>>)
        tpu.yield
      }) : () -> ()
    } else {
    }
    %min3A = arith.constant 11 : i32
    %min3A_59 = arith.minsi %arg1, %min3A : i32
    "tpu.region"() ({
      %run_scoped3A = tpu.sem_alloc : memref<!tpu.dma_semaphore, #tpu.memory_space<semaphore_mem>>
      %dma_start3A_398 = arith.constant 0 : i32
      %dma_start3A_399 = arith.constant 0 : i32
      %dma_start3A_400 = tpu.memref_slice %arg4[%min3A_59, %dma_start3A_398, %dma_start3A_399] : memref<12x6x32xi32, #tpu.memory_space<hbm>> -> memref<1x6x32xi32, #tpu.memory_space<hbm>>
      %dma_start3A_401 = tpu.memref_squeeze %dma_start3A_400 : memref<1x6x32xi32, #tpu.memory_space<hbm>> -> memref<6x32xi32, #tpu.memory_space<hbm>>
      %dma_start3A_402 = arith.constant 0 : i32
      %dma_start3A_403 = arith.constant 0 : i32
      %dma_start3A_404 = tpu.memref_slice %arg4[%min3A_59, %dma_start3A_402, %dma_start3A_403] : memref<12x6x32xi32, #tpu.memory_space<hbm>> -> memref<1x6x32xi32, #tpu.memory_space<hbm>>
      %dma_start3A_405 = tpu.memref_squeeze %dma_start3A_404 : memref<1x6x32xi32, #tpu.memory_space<hbm>> -> memref<6x32xi32, #tpu.memory_space<hbm>>
      tpu.enqueue_dma source(%dma_start3A_405 : memref<6x32xi32, #tpu.memory_space<hbm>>) target(%arg15 : memref<6x32xi32, #tpu.memory_space<vmem>>) target_semaphore(%run_scoped3A : memref<!tpu.dma_semaphore, #tpu.memory_space<semaphore_mem>>)
      %dma_wait3A_406 = arith.constant 0 : i32
      %dma_wait3A_407 = arith.constant 0 : i32
      %dma_wait3A_408 = tpu.memref_slice %arg4[%min3A_59, %dma_wait3A_406, %dma_wait3A_407] : memref<12x6x32xi32, #tpu.memory_space<hbm>> -> memref<1x6x32xi32, #tpu.memory_space<hbm>>
      %dma_wait3A_409 = tpu.memref_squeeze %dma_wait3A_408 : memref<1x6x32xi32, #tpu.memory_space<hbm>> -> memref<6x32xi32, #tpu.memory_space<hbm>>
      %dma_wait3A_410 = arith.constant 0 : i32
      %dma_wait3A_411 = arith.constant 0 : i32
      %dma_wait3A_412 = tpu.memref_slice %arg4[%min3A_59, %dma_wait3A_410, %dma_wait3A_411] : memref<12x6x32xi32, #tpu.memory_space<hbm>> -> memref<1x6x32xi32, #tpu.memory_space<hbm>>
      %dma_wait3A_413 = tpu.memref_squeeze %dma_wait3A_412 : memref<1x6x32xi32, #tpu.memory_space<hbm>> -> memref<6x32xi32, #tpu.memory_space<hbm>>
      tpu.wait_dma2 semaphore(%run_scoped3A : memref<!tpu.dma_semaphore, #tpu.memory_space<semaphore_mem>>) src(%dma_wait3A_413 : memref<6x32xi32, #tpu.memory_space<hbm>>) dst(%arg15 : memref<6x32xi32, #tpu.memory_space<vmem>>)
      tpu.yield
    }) : () -> ()
    "tpu.region"() ({
      %run_scoped3A = tpu.sem_alloc : memref<!tpu.dma_semaphore, #tpu.memory_space<semaphore_mem>>
      %dma_start3A_398 = arith.constant 0 : i32
      %dma_start3A_399 = arith.constant 0 : i32
      %dma_start3A_400 = tpu.memref_slice %arg5[%min3A_59, %dma_start3A_398, %dma_start3A_399] : memref<12x6x32xi32, #tpu.memory_space<hbm>> -> memref<1x6x32xi32, #tpu.memory_space<hbm>>
      %dma_start3A_401 = tpu.memref_squeeze %dma_start3A_400 : memref<1x6x32xi32, #tpu.memory_space<hbm>> -> memref<6x32xi32, #tpu.memory_space<hbm>>
      %dma_start3A_402 = arith.constant 0 : i32
      %dma_start3A_403 = arith.constant 0 : i32
      %dma_start3A_404 = tpu.memref_slice %arg5[%min3A_59, %dma_start3A_402, %dma_start3A_403] : memref<12x6x32xi32, #tpu.memory_space<hbm>> -> memref<1x6x32xi32, #tpu.memory_space<hbm>>
      %dma_start3A_405 = tpu.memref_squeeze %dma_start3A_404 : memref<1x6x32xi32, #tpu.memory_space<hbm>> -> memref<6x32xi32, #tpu.memory_space<hbm>>
      tpu.enqueue_dma source(%dma_start3A_405 : memref<6x32xi32, #tpu.memory_space<hbm>>) target(%arg16 : memref<6x32xi32, #tpu.memory_space<vmem>>) target_semaphore(%run_scoped3A : memref<!tpu.dma_semaphore, #tpu.memory_space<semaphore_mem>>)
      %dma_wait3A_406 = arith.constant 0 : i32
      %dma_wait3A_407 = arith.constant 0 : i32
      %dma_wait3A_408 = tpu.memref_slice %arg5[%min3A_59, %dma_wait3A_406, %dma_wait3A_407] : memref<12x6x32xi32, #tpu.memory_space<hbm>> -> memref<1x6x32xi32, #tpu.memory_space<hbm>>
      %dma_wait3A_409 = tpu.memref_squeeze %dma_wait3A_408 : memref<1x6x32xi32, #tpu.memory_space<hbm>> -> memref<6x32xi32, #tpu.memory_space<hbm>>
      %dma_wait3A_410 = arith.constant 0 : i32
      %dma_wait3A_411 = arith.constant 0 : i32
      %dma_wait3A_412 = tpu.memref_slice %arg5[%min3A_59, %dma_wait3A_410, %dma_wait3A_411] : memref<12x6x32xi32, #tpu.memory_space<hbm>> -> memref<1x6x32xi32, #tpu.memory_space<hbm>>
      %dma_wait3A_413 = tpu.memref_squeeze %dma_wait3A_412 : memref<1x6x32xi32, #tpu.memory_space<hbm>> -> memref<6x32xi32, #tpu.memory_space<hbm>>
      tpu.wait_dma2 semaphore(%run_scoped3A : memref<!tpu.dma_semaphore, #tpu.memory_space<semaphore_mem>>) src(%dma_wait3A_413 : memref<6x32xi32, #tpu.memory_space<hbm>>) dst(%arg16 : memref<6x32xi32, #tpu.memory_space<vmem>>)
      tpu.yield
    }) : () -> ()
    %broadcast_in_dim3A = arith.constant 0 : i32
    %broadcast_in_dim3A_60 = vector.broadcast %broadcast_in_dim3A : i32 to vector<16xi32>
    %get3A = arith.constant 0 : i64
    %get3A_61 = arith.index_cast %get3A : i64 to index
    %get3A_62 = arith.constant 0 : index
    %get3A_63 = tpu.vector_load %arg15[%get3A_61, %get3A_62] {strides = array<i32>} : memref<6x32xi32, #tpu.memory_space<vmem>>, vector<1x16xi32>,
    %get3A_64 = vector.shape_cast %get3A_63 : vector<1x16xi32> to vector<16xi32>
    %get3A_65 = arith.constant 0 : i64
    %get3A_66 = arith.index_cast %get3A_65 : i64 to index
    %get3A_67 = arith.constant 0 : index
    %get3A_68 = tpu.vector_load %arg16[%get3A_66, %get3A_67] {strides = array<i32>} : memref<6x32xi32, #tpu.memory_space<vmem>>, vector<1x16xi32>,
    %get3A_69 = vector.shape_cast %get3A_68 : vector<1x16xi32> to vector<16xi32>
    %or3A = arith.ori %get3A_64, %get3A_69 : vector<16xi32>
    %min3A_70 = arith.constant 1 : i32
    %min3A_71 = vector.broadcast %min3A_70 : i32 to vector<16xi32>
    %min3A_72 = arith.minsi %or3A, %min3A_71 : vector<16xi32>
    %sub3A = arith.constant 1 : i32
    %sub3A_73 = vector.broadcast %sub3A : i32 to vector<16xi32>
    %sub3A_74 = arith.subi %sub3A_73, %min3A_72 : vector<16xi32>
    %swap3A = arith.constant 0 : i64
    %swap3A_75 = arith.index_cast %swap3A : i64 to index
    %swap3A_76 = arith.constant 0 : index
    %swap3A_77 = tpu.vector_load %arg17[%swap3A_75, %swap3A_76] {strides = array<i32>} : memref<6x32xi32, #tpu.memory_space<vmem>>, vector<1x16xi32>,
    %swap3A_78 = vector.shape_cast %swap3A_77 : vector<1x16xi32> to vector<16xi32>
    %swap3A_79 = vector.shape_cast %sub3A_74 : vector<16xi32> to vector<1x16xi32>
    tpu.vector_store %arg17[%swap3A_75, %swap3A_76], %swap3A_79 {strides = array<i32>} : memref<6x32xi32, #tpu.memory_space<vmem>>, vector<1x16xi32>,
    %or3A_80 = arith.ori %broadcast_in_dim3A_60, %min3A_72 : vector<16xi32>
    %get3A_81 = arith.constant 0 : i64
    %get3A_82 = arith.index_cast %get3A_81 : i64 to index
    %get3A_83 = arith.constant 16 : index
    %get3A_84 = tpu.vector_load %arg15[%get3A_82, %get3A_83] {strides = array<i32>} : memref<6x32xi32, #tpu.memory_space<vmem>>, vector<1x16xi32>,
    %get3A_85 = vector.shape_cast %get3A_84 : vector<1x16xi32> to vector<16xi32>
    %get3A_86 = arith.constant 0 : i64
    %get3A_87 = arith.index_cast %get3A_86 : i64 to index
    %get3A_88 = arith.constant 16 : index
    %get3A_89 = tpu.vector_load %arg16[%get3A_87, %get3A_88] {strides = array<i32>} : memref<6x32xi32, #tpu.memory_space<vmem>>, vector<1x16xi32>,
    %get3A_90 = vector.shape_cast %get3A_89 : vector<1x16xi32> to vector<16xi32>
    %or3A_91 = arith.ori %get3A_85, %get3A_90 : vector<16xi32>
    %min3A_92 = arith.constant 1 : i32
    %min3A_93 = vector.broadcast %min3A_92 : i32 to vector<16xi32>
    %min3A_94 = arith.minsi %or3A_91, %min3A_93 : vector<16xi32>
    %sub3A_95 = arith.constant 1 : i32
    %sub3A_96 = vector.broadcast %sub3A_95 : i32 to vector<16xi32>
    %sub3A_97 = arith.subi %sub3A_96, %min3A_94 : vector<16xi32>
    %swap3A_98 = arith.constant 0 : i64
    %swap3A_99 = arith.index_cast %swap3A_98 : i64 to index
    %swap3A_100 = arith.constant 16 : index
    %swap3A_101 = tpu.vector_load %arg17[%swap3A_99, %swap3A_100] {strides = array<i32>} : memref<6x32xi32, #tpu.memory_space<vmem>>, vector<1x16xi32>,
    %swap3A_102 = vector.shape_cast %swap3A_101 : vector<1x16xi32> to vector<16xi32>
    %swap3A_103 = vector.shape_cast %sub3A_97 : vector<16xi32> to vector<1x16xi32>
    tpu.vector_store %arg17[%swap3A_99, %swap3A_100], %swap3A_103 {strides = array<i32>} : memref<6x32xi32, #tpu.memory_space<vmem>>, vector<1x16xi32>,
    %or3A_104 = arith.ori %or3A_80, %min3A_94 : vector<16xi32>
    %swap3A_105 = arith.constant 0 : i64
    %swap3A_106 = arith.index_cast %swap3A_105 : i64 to index
    %swap3A_107 = arith.constant 0 : index
    %swap3A_108 = tpu.vector_load %arg18[%swap3A_106, %swap3A_107] {strides = array<i32>} : memref<6x16xi32, #tpu.memory_space<vmem>>, vector<1x16xi32>,
    %swap3A_109 = vector.shape_cast %swap3A_108 : vector<1x16xi32> to vector<16xi32>
    %swap3A_110 = vector.shape_cast %or3A_104 : vector<16xi32> to vector<1x16xi32>
    tpu.vector_store %arg18[%swap3A_106, %swap3A_107], %swap3A_110 {strides = array<i32>} : memref<6x16xi32, #tpu.memory_space<vmem>>, vector<1x16xi32>,
    %broadcast_in_dim3A_111 = arith.constant 0 : i32
    %broadcast_in_dim3A_112 = vector.broadcast %broadcast_in_dim3A_111 : i32 to vector<16xi32>
    %get3A_113 = arith.constant 1 : i64
    %get3A_114 = arith.index_cast %get3A_113 : i64 to index
    %get3A_115 = arith.constant 0 : index
    %get3A_116 = tpu.vector_load %arg15[%get3A_114, %get3A_115] {strides = array<i32>} : memref<6x32xi32, #tpu.memory_space<vmem>>, vector<1x16xi32>,
    %get3A_117 = vector.shape_cast %get3A_116 : vector<1x16xi32> to vector<16xi32>
    %get3A_118 = arith.constant 1 : i64
    %get3A_119 = arith.index_cast %get3A_118 : i64 to index
    %get3A_120 = arith.constant 0 : index
    %get3A_121 = tpu.vector_load %arg16[%get3A_119, %get3A_120] {strides = array<i32>} : memref<6x32xi32, #tpu.memory_space<vmem>>, vector<1x16xi32>,
    %get3A_122 = vector.shape_cast %get3A_121 : vector<1x16xi32> to vector<16xi32>
    %or3A_123 = arith.ori %get3A_117, %get3A_122 : vector<16xi32>
    %min3A_124 = arith.constant 1 : i32
    %min3A_125 = vector.broadcast %min3A_124 : i32 to vector<16xi32>
    %min3A_126 = arith.minsi %or3A_123, %min3A_125 : vector<16xi32>
    %sub3A_127 = arith.constant 1 : i32
    %sub3A_128 = vector.broadcast %sub3A_127 : i32 to vector<16xi32>
    %sub3A_129 = arith.subi %sub3A_128, %min3A_126 : vector<16xi32>
    %swap3A_130 = arith.constant 1 : i64
    %swap3A_131 = arith.index_cast %swap3A_130 : i64 to index
    %swap3A_132 = arith.constant 0 : index
    %swap3A_133 = tpu.vector_load %arg17[%swap3A_131, %swap3A_132] {strides = array<i32>} : memref<6x32xi32, #tpu.memory_space<vmem>>, vector<1x16xi32>,
    %swap3A_134 = vector.shape_cast %swap3A_133 : vector<1x16xi32> to vector<16xi32>
    %swap3A_135 = vector.shape_cast %sub3A_129 : vector<16xi32> to vector<1x16xi32>
    tpu.vector_store %arg17[%swap3A_131, %swap3A_132], %swap3A_135 {strides = array<i32>} : memref<6x32xi32, #tpu.memory_space<vmem>>, vector<1x16xi32>,
    %or3A_136 = arith.ori %broadcast_in_dim3A_112, %min3A_126 : vector<16xi32>
    %get3A_137 = arith.constant 1 : i64
    %get3A_138 = arith.index_cast %get3A_137 : i64 to index
    %get3A_139 = arith.constant 16 : index
    %get3A_140 = tpu.vector_load %arg15[%get3A_138, %get3A_139] {strides = array<i32>} : memref<6x32xi32, #tpu.memory_space<vmem>>, vector<1x16xi32>,
    %get3A_141 = vector.shape_cast %get3A_140 : vector<1x16xi32> to vector<16xi32>
    %get3A_142 = arith.constant 1 : i64
    %get3A_143 = arith.index_cast %get3A_142 : i64 to index
    %get3A_144 = arith.constant 16 : index
    %get3A_145 = tpu.vector_load %arg16[%get3A_143, %get3A_144] {strides = array<i32>} : memref<6x32xi32, #tpu.memory_space<vmem>>, vector<1x16xi32>,
    %get3A_146 = vector.shape_cast %get3A_145 : vector<1x16xi32> to vector<16xi32>
    %or3A_147 = arith.ori %get3A_141, %get3A_146 : vector<16xi32>
    %min3A_148 = arith.constant 1 : i32
    %min3A_149 = vector.broadcast %min3A_148 : i32 to vector<16xi32>
    %min3A_150 = arith.minsi %or3A_147, %min3A_149 : vector<16xi32>
    %sub3A_151 = arith.constant 1 : i32
    %sub3A_152 = vector.broadcast %sub3A_151 : i32 to vector<16xi32>
    %sub3A_153 = arith.subi %sub3A_152, %min3A_150 : vector<16xi32>
    %swap3A_154 = arith.constant 1 : i64
    %swap3A_155 = arith.index_cast %swap3A_154 : i64 to index
    %swap3A_156 = arith.constant 16 : index
    %swap3A_157 = tpu.vector_load %arg17[%swap3A_155, %swap3A_156] {strides = array<i32>} : memref<6x32xi32, #tpu.memory_space<vmem>>, vector<1x16xi32>,
    %swap3A_158 = vector.shape_cast %swap3A_157 : vector<1x16xi32> to vector<16xi32>
    %swap3A_159 = vector.shape_cast %sub3A_153 : vector<16xi32> to vector<1x16xi32>
    tpu.vector_store %arg17[%swap3A_155, %swap3A_156], %swap3A_159 {strides = array<i32>} : memref<6x32xi32, #tpu.memory_space<vmem>>, vector<1x16xi32>,
    %or3A_160 = arith.ori %or3A_136, %min3A_150 : vector<16xi32>
    %swap3A_161 = arith.constant 1 : i64
    %swap3A_162 = arith.index_cast %swap3A_161 : i64 to index
    %swap3A_163 = arith.constant 0 : index
    %swap3A_164 = tpu.vector_load %arg18[%swap3A_162, %swap3A_163] {strides = array<i32>} : memref<6x16xi32, #tpu.memory_space<vmem>>, vector<1x16xi32>,
    %swap3A_165 = vector.shape_cast %swap3A_164 : vector<1x16xi32> to vector<16xi32>
    %swap3A_166 = vector.shape_cast %or3A_160 : vector<16xi32> to vector<1x16xi32>
    tpu.vector_store %arg18[%swap3A_162, %swap3A_163], %swap3A_166 {strides = array<i32>} : memref<6x16xi32, #tpu.memory_space<vmem>>, vector<1x16xi32>,
    %broadcast_in_dim3A_167 = arith.constant 0 : i32
    %broadcast_in_dim3A_168 = vector.broadcast %broadcast_in_dim3A_167 : i32 to vector<16xi32>
    %get3A_169 = arith.constant 2 : i64
    %get3A_170 = arith.index_cast %get3A_169 : i64 to index
    %get3A_171 = arith.constant 0 : index
    %get3A_172 = tpu.vector_load %arg15[%get3A_170, %get3A_171] {strides = array<i32>} : memref<6x32xi32, #tpu.memory_space<vmem>>, vector<1x16xi32>,
    %get3A_173 = vector.shape_cast %get3A_172 : vector<1x16xi32> to vector<16xi32>
    %get3A_174 = arith.constant 2 : i64
    %get3A_175 = arith.index_cast %get3A_174 : i64 to index
    %get3A_176 = arith.constant 0 : index
    %get3A_177 = tpu.vector_load %arg16[%get3A_175, %get3A_176] {strides = array<i32>} : memref<6x32xi32, #tpu.memory_space<vmem>>, vector<1x16xi32>,
    %get3A_178 = vector.shape_cast %get3A_177 : vector<1x16xi32> to vector<16xi32>
    %or3A_179 = arith.ori %get3A_173, %get3A_178 : vector<16xi32>
    %min3A_180 = arith.constant 1 : i32
    %min3A_181 = vector.broadcast %min3A_180 : i32 to vector<16xi32>
    %min3A_182 = arith.minsi %or3A_179, %min3A_181 : vector<16xi32>
    %sub3A_183 = arith.constant 1 : i32
    %sub3A_184 = vector.broadcast %sub3A_183 : i32 to vector<16xi32>
    %sub3A_185 = arith.subi %sub3A_184, %min3A_182 : vector<16xi32>
    %swap3A_186 = arith.constant 2 : i64
    %swap3A_187 = arith.index_cast %swap3A_186 : i64 to index
    %swap3A_188 = arith.constant 0 : index
    %swap3A_189 = tpu.vector_load %arg17[%swap3A_187, %swap3A_188] {strides = array<i32>} : memref<6x32xi32, #tpu.memory_space<vmem>>, vector<1x16xi32>,
    %swap3A_190 = vector.shape_cast %swap3A_189 : vector<1x16xi32> to vector<16xi32>
    %swap3A_191 = vector.shape_cast %sub3A_185 : vector<16xi32> to vector<1x16xi32>
    tpu.vector_store %arg17[%swap3A_187, %swap3A_188], %swap3A_191 {strides = array<i32>} : memref<6x32xi32, #tpu.memory_space<vmem>>, vector<1x16xi32>,
    %or3A_192 = arith.ori %broadcast_in_dim3A_168, %min3A_182 : vector<16xi32>
    %get3A_193 = arith.constant 2 : i64
    %get3A_194 = arith.index_cast %get3A_193 : i64 to index
    %get3A_195 = arith.constant 16 : index
    %get3A_196 = tpu.vector_load %arg15[%get3A_194, %get3A_195] {strides = array<i32>} : memref<6x32xi32, #tpu.memory_space<vmem>>, vector<1x16xi32>,
    %get3A_197 = vector.shape_cast %get3A_196 : vector<1x16xi32> to vector<16xi32>
    %get3A_198 = arith.constant 2 : i64
    %get3A_199 = arith.index_cast %get3A_198 : i64 to index
    %get3A_200 = arith.constant 16 : index
    %get3A_201 = tpu.vector_load %arg16[%get3A_199, %get3A_200] {strides = array<i32>} : memref<6x32xi32, #tpu.memory_space<vmem>>, vector<1x16xi32>,
    %get3A_202 = vector.shape_cast %get3A_201 : vector<1x16xi32> to vector<16xi32>
    %or3A_203 = arith.ori %get3A_197, %get3A_202 : vector<16xi32>
    %min3A_204 = arith.constant 1 : i32
    %min3A_205 = vector.broadcast %min3A_204 : i32 to vector<16xi32>
    %min3A_206 = arith.minsi %or3A_203, %min3A_205 : vector<16xi32>
    %sub3A_207 = arith.constant 1 : i32
    %sub3A_208 = vector.broadcast %sub3A_207 : i32 to vector<16xi32>
    %sub3A_209 = arith.subi %sub3A_208, %min3A_206 : vector<16xi32>
    %swap3A_210 = arith.constant 2 : i64
    %swap3A_211 = arith.index_cast %swap3A_210 : i64 to index
    %swap3A_212 = arith.constant 16 : index
    %swap3A_213 = tpu.vector_load %arg17[%swap3A_211, %swap3A_212] {strides = array<i32>} : memref<6x32xi32, #tpu.memory_space<vmem>>, vector<1x16xi32>,
    %swap3A_214 = vector.shape_cast %swap3A_213 : vector<1x16xi32> to vector<16xi32>
    %swap3A_215 = vector.shape_cast %sub3A_209 : vector<16xi32> to vector<1x16xi32>
    tpu.vector_store %arg17[%swap3A_211, %swap3A_212], %swap3A_215 {strides = array<i32>} : memref<6x32xi32, #tpu.memory_space<vmem>>, vector<1x16xi32>,
    %or3A_216 = arith.ori %or3A_192, %min3A_206 : vector<16xi32>
    %swap3A_217 = arith.constant 2 : i64
    %swap3A_218 = arith.index_cast %swap3A_217 : i64 to index
    %swap3A_219 = arith.constant 0 : index
    %swap3A_220 = tpu.vector_load %arg18[%swap3A_218, %swap3A_219] {strides = array<i32>} : memref<6x16xi32, #tpu.memory_space<vmem>>, vector<1x16xi32>,
    %swap3A_221 = vector.shape_cast %swap3A_220 : vector<1x16xi32> to vector<16xi32>
    %swap3A_222 = vector.shape_cast %or3A_216 : vector<16xi32> to vector<1x16xi32>
    tpu.vector_store %arg18[%swap3A_218, %swap3A_219], %swap3A_222 {strides = array<i32>} : memref<6x16xi32, #tpu.memory_space<vmem>>, vector<1x16xi32>,
    %broadcast_in_dim3A_223 = arith.constant 0 : i32
    %broadcast_in_dim3A_224 = vector.broadcast %broadcast_in_dim3A_223 : i32 to vector<16xi32>
    %get3A_225 = arith.constant 3 : i64
    %get3A_226 = arith.index_cast %get3A_225 : i64 to index
    %get3A_227 = arith.constant 0 : index
    %get3A_228 = tpu.vector_load %arg15[%get3A_226, %get3A_227] {strides = array<i32>} : memref<6x32xi32, #tpu.memory_space<vmem>>, vector<1x16xi32>,
    %get3A_229 = vector.shape_cast %get3A_228 : vector<1x16xi32> to vector<16xi32>
    %get3A_230 = arith.constant 3 : i64
    %get3A_231 = arith.index_cast %get3A_230 : i64 to index
    %get3A_232 = arith.constant 0 : index
    %get3A_233 = tpu.vector_load %arg16[%get3A_231, %get3A_232] {strides = array<i32>} : memref<6x32xi32, #tpu.memory_space<vmem>>, vector<1x16xi32>,
    %get3A_234 = vector.shape_cast %get3A_233 : vector<1x16xi32> to vector<16xi32>
    %or3A_235 = arith.ori %get3A_229, %get3A_234 : vector<16xi32>
    %min3A_236 = arith.constant 1 : i32
    %min3A_237 = vector.broadcast %min3A_236 : i32 to vector<16xi32>
    %min3A_238 = arith.minsi %or3A_235, %min3A_237 : vector<16xi32>
    %sub3A_239 = arith.constant 1 : i32
    %sub3A_240 = vector.broadcast %sub3A_239 : i32 to vector<16xi32>
    %sub3A_241 = arith.subi %sub3A_240, %min3A_238 : vector<16xi32>
    %swap3A_242 = arith.constant 3 : i64
    %swap3A_243 = arith.index_cast %swap3A_242 : i64 to index
    %swap3A_244 = arith.constant 0 : index
    %swap3A_245 = tpu.vector_load %arg17[%swap3A_243, %swap3A_244] {strides = array<i32>} : memref<6x32xi32, #tpu.memory_space<vmem>>, vector<1x16xi32>,
    %swap3A_246 = vector.shape_cast %swap3A_245 : vector<1x16xi32> to vector<16xi32>
    %swap3A_247 = vector.shape_cast %sub3A_241 : vector<16xi32> to vector<1x16xi32>
    tpu.vector_store %arg17[%swap3A_243, %swap3A_244], %swap3A_247 {strides = array<i32>} : memref<6x32xi32, #tpu.memory_space<vmem>>, vector<1x16xi32>,
    %or3A_248 = arith.ori %broadcast_in_dim3A_224, %min3A_238 : vector<16xi32>
    %get3A_249 = arith.constant 3 : i64
    %get3A_250 = arith.index_cast %get3A_249 : i64 to index
    %get3A_251 = arith.constant 16 : index
    %get3A_252 = tpu.vector_load %arg15[%get3A_250, %get3A_251] {strides = array<i32>} : memref<6x32xi32, #tpu.memory_space<vmem>>, vector<1x16xi32>,
    %get3A_253 = vector.shape_cast %get3A_252 : vector<1x16xi32> to vector<16xi32>
    %get3A_254 = arith.constant 3 : i64
    %get3A_255 = arith.index_cast %get3A_254 : i64 to index
    %get3A_256 = arith.constant 16 : index
    %get3A_257 = tpu.vector_load %arg16[%get3A_255, %get3A_256] {strides = array<i32>} : memref<6x32xi32, #tpu.memory_space<vmem>>, vector<1x16xi32>,
    %get3A_258 = vector.shape_cast %get3A_257 : vector<1x16xi32> to vector<16xi32>
    %or3A_259 = arith.ori %get3A_253, %get3A_258 : vector<16xi32>
    %min3A_260 = arith.constant 1 : i32
    %min3A_261 = vector.broadcast %min3A_260 : i32 to vector<16xi32>
    %min3A_262 = arith.minsi %or3A_259, %min3A_261 : vector<16xi32>
    %sub3A_263 = arith.constant 1 : i32
    %sub3A_264 = vector.broadcast %sub3A_263 : i32 to vector<16xi32>
    %sub3A_265 = arith.subi %sub3A_264, %min3A_262 : vector<16xi32>
    %swap3A_266 = arith.constant 3 : i64
    %swap3A_267 = arith.index_cast %swap3A_266 : i64 to index
    %swap3A_268 = arith.constant 16 : index
    %swap3A_269 = tpu.vector_load %arg17[%swap3A_267, %swap3A_268] {strides = array<i32>} : memref<6x32xi32, #tpu.memory_space<vmem>>, vector<1x16xi32>,
    %swap3A_270 = vector.shape_cast %swap3A_269 : vector<1x16xi32> to vector<16xi32>
    %swap3A_271 = vector.shape_cast %sub3A_265 : vector<16xi32> to vector<1x16xi32>
    tpu.vector_store %arg17[%swap3A_267, %swap3A_268], %swap3A_271 {strides = array<i32>} : memref<6x32xi32, #tpu.memory_space<vmem>>, vector<1x16xi32>,
    %or3A_272 = arith.ori %or3A_248, %min3A_262 : vector<16xi32>
    %swap3A_273 = arith.constant 3 : i64
    %swap3A_274 = arith.index_cast %swap3A_273 : i64 to index
    %swap3A_275 = arith.constant 0 : index
    %swap3A_276 = tpu.vector_load %arg18[%swap3A_274, %swap3A_275] {strides = array<i32>} : memref<6x16xi32, #tpu.memory_space<vmem>>, vector<1x16xi32>,
    %swap3A_277 = vector.shape_cast %swap3A_276 : vector<1x16xi32> to vector<16xi32>
    %swap3A_278 = vector.shape_cast %or3A_272 : vector<16xi32> to vector<1x16xi32>
    tpu.vector_store %arg18[%swap3A_274, %swap3A_275], %swap3A_278 {strides = array<i32>} : memref<6x16xi32, #tpu.memory_space<vmem>>, vector<1x16xi32>,
    %broadcast_in_dim3A_279 = arith.constant 0 : i32
    %broadcast_in_dim3A_280 = vector.broadcast %broadcast_in_dim3A_279 : i32 to vector<16xi32>
    %get3A_281 = arith.constant 4 : i64
    %get3A_282 = arith.index_cast %get3A_281 : i64 to index
    %get3A_283 = arith.constant 0 : index
    %get3A_284 = tpu.vector_load %arg15[%get3A_282, %get3A_283] {strides = array<i32>} : memref<6x32xi32, #tpu.memory_space<vmem>>, vector<1x16xi32>,
    %get3A_285 = vector.shape_cast %get3A_284 : vector<1x16xi32> to vector<16xi32>
    %get3A_286 = arith.constant 4 : i64
    %get3A_287 = arith.index_cast %get3A_286 : i64 to index
    %get3A_288 = arith.constant 0 : index
    %get3A_289 = tpu.vector_load %arg16[%get3A_287, %get3A_288] {strides = array<i32>} : memref<6x32xi32, #tpu.memory_space<vmem>>, vector<1x16xi32>,
    %get3A_290 = vector.shape_cast %get3A_289 : vector<1x16xi32> to vector<16xi32>
    %or3A_291 = arith.ori %get3A_285, %get3A_290 : vector<16xi32>
    %min3A_292 = arith.constant 1 : i32
    %min3A_293 = vector.broadcast %min3A_292 : i32 to vector<16xi32>
    %min3A_294 = arith.minsi %or3A_291, %min3A_293 : vector<16xi32>
    %sub3A_295 = arith.constant 1 : i32
    %sub3A_296 = vector.broadcast %sub3A_295 : i32 to vector<16xi32>
    %sub3A_297 = arith.subi %sub3A_296, %min3A_294 : vector<16xi32>
    %swap3A_298 = arith.constant 4 : i64
    %swap3A_299 = arith.index_cast %swap3A_298 : i64 to index
    %swap3A_300 = arith.constant 0 : index
    %swap3A_301 = tpu.vector_load %arg17[%swap3A_299, %swap3A_300] {strides = array<i32>} : memref<6x32xi32, #tpu.memory_space<vmem>>, vector<1x16xi32>,
    %swap3A_302 = vector.shape_cast %swap3A_301 : vector<1x16xi32> to vector<16xi32>
    %swap3A_303 = vector.shape_cast %sub3A_297 : vector<16xi32> to vector<1x16xi32>
    tpu.vector_store %arg17[%swap3A_299, %swap3A_300], %swap3A_303 {strides = array<i32>} : memref<6x32xi32, #tpu.memory_space<vmem>>, vector<1x16xi32>,
    %or3A_304 = arith.ori %broadcast_in_dim3A_280, %min3A_294 : vector<16xi32>
    %get3A_305 = arith.constant 4 : i64
    %get3A_306 = arith.index_cast %get3A_305 : i64 to index
    %get3A_307 = arith.constant 16 : index
    %get3A_308 = tpu.vector_load %arg15[%get3A_306, %get3A_307] {strides = array<i32>} : memref<6x32xi32, #tpu.memory_space<vmem>>, vector<1x16xi32>,
    %get3A_309 = vector.shape_cast %get3A_308 : vector<1x16xi32> to vector<16xi32>
    %get3A_310 = arith.constant 4 : i64
    %get3A_311 = arith.index_cast %get3A_310 : i64 to index
    %get3A_312 = arith.constant 16 : index
    %get3A_313 = tpu.vector_load %arg16[%get3A_311, %get3A_312] {strides = array<i32>} : memref<6x32xi32, #tpu.memory_space<vmem>>, vector<1x16xi32>,
    %get3A_314 = vector.shape_cast %get3A_313 : vector<1x16xi32> to vector<16xi32>
    %or3A_315 = arith.ori %get3A_309, %get3A_314 : vector<16xi32>
    %min3A_316 = arith.constant 1 : i32
    %min3A_317 = vector.broadcast %min3A_316 : i32 to vector<16xi32>
    %min3A_318 = arith.minsi %or3A_315, %min3A_317 : vector<16xi32>
    %sub3A_319 = arith.constant 1 : i32
    %sub3A_320 = vector.broadcast %sub3A_319 : i32 to vector<16xi32>
    %sub3A_321 = arith.subi %sub3A_320, %min3A_318 : vector<16xi32>
    %swap3A_322 = arith.constant 4 : i64
    %swap3A_323 = arith.index_cast %swap3A_322 : i64 to index
    %swap3A_324 = arith.constant 16 : index
    %swap3A_325 = tpu.vector_load %arg17[%swap3A_323, %swap3A_324] {strides = array<i32>} : memref<6x32xi32, #tpu.memory_space<vmem>>, vector<1x16xi32>,
    %swap3A_326 = vector.shape_cast %swap3A_325 : vector<1x16xi32> to vector<16xi32>
    %swap3A_327 = vector.shape_cast %sub3A_321 : vector<16xi32> to vector<1x16xi32>
    tpu.vector_store %arg17[%swap3A_323, %swap3A_324], %swap3A_327 {strides = array<i32>} : memref<6x32xi32, #tpu.memory_space<vmem>>, vector<1x16xi32>,
    %or3A_328 = arith.ori %or3A_304, %min3A_318 : vector<16xi32>
    %swap3A_329 = arith.constant 4 : i64
    %swap3A_330 = arith.index_cast %swap3A_329 : i64 to index
    %swap3A_331 = arith.constant 0 : index
    %swap3A_332 = tpu.vector_load %arg18[%swap3A_330, %swap3A_331] {strides = array<i32>} : memref<6x16xi32, #tpu.memory_space<vmem>>, vector<1x16xi32>,
    %swap3A_333 = vector.shape_cast %swap3A_332 : vector<1x16xi32> to vector<16xi32>
    %swap3A_334 = vector.shape_cast %or3A_328 : vector<16xi32> to vector<1x16xi32>
    tpu.vector_store %arg18[%swap3A_330, %swap3A_331], %swap3A_334 {strides = array<i32>} : memref<6x16xi32, #tpu.memory_space<vmem>>, vector<1x16xi32>,
    %broadcast_in_dim3A_335 = arith.constant 0 : i32
    %broadcast_in_dim3A_336 = vector.broadcast %broadcast_in_dim3A_335 : i32 to vector<16xi32>
    %get3A_337 = arith.constant 5 : i64
    %get3A_338 = arith.index_cast %get3A_337 : i64 to index
    %get3A_339 = arith.constant 0 : index
    %get3A_340 = tpu.vector_load %arg15[%get3A_338, %get3A_339] {strides = array<i32>} : memref<6x32xi32, #tpu.memory_space<vmem>>, vector<1x16xi32>,
    %get3A_341 = vector.shape_cast %get3A_340 : vector<1x16xi32> to vector<16xi32>
    %get3A_342 = arith.constant 5 : i64
    %get3A_343 = arith.index_cast %get3A_342 : i64 to index
    %get3A_344 = arith.constant 0 : index
    %get3A_345 = tpu.vector_load %arg16[%get3A_343, %get3A_344] {strides = array<i32>} : memref<6x32xi32, #tpu.memory_space<vmem>>, vector<1x16xi32>,
    %get3A_346 = vector.shape_cast %get3A_345 : vector<1x16xi32> to vector<16xi32>
    %or3A_347 = arith.ori %get3A_341, %get3A_346 : vector<16xi32>
    %min3A_348 = arith.constant 1 : i32
    %min3A_349 = vector.broadcast %min3A_348 : i32 to vector<16xi32>
    %min3A_350 = arith.minsi %or3A_347, %min3A_349 : vector<16xi32>
    %sub3A_351 = arith.constant 1 : i32
    %sub3A_352 = vector.broadcast %sub3A_351 : i32 to vector<16xi32>
    %sub3A_353 = arith.subi %sub3A_352, %min3A_350 : vector<16xi32>
    %swap3A_354 = arith.constant 5 : i64
    %swap3A_355 = arith.index_cast %swap3A_354 : i64 to index
    %swap3A_356 = arith.constant 0 : index
    %swap3A_357 = tpu.vector_load %arg17[%swap3A_355, %swap3A_356] {strides = array<i32>} : memref<6x32xi32, #tpu.memory_space<vmem>>, vector<1x16xi32>,
    %swap3A_358 = vector.shape_cast %swap3A_357 : vector<1x16xi32> to vector<16xi32>
    %swap3A_359 = vector.shape_cast %sub3A_353 : vector<16xi32> to vector<1x16xi32>
    tpu.vector_store %arg17[%swap3A_355, %swap3A_356], %swap3A_359 {strides = array<i32>} : memref<6x32xi32, #tpu.memory_space<vmem>>, vector<1x16xi32>,
    %or3A_360 = arith.ori %broadcast_in_dim3A_336, %min3A_350 : vector<16xi32>
    %get3A_361 = arith.constant 5 : i64
    %get3A_362 = arith.index_cast %get3A_361 : i64 to index
    %get3A_363 = arith.constant 16 : index
    %get3A_364 = tpu.vector_load %arg15[%get3A_362, %get3A_363] {strides = array<i32>} : memref<6x32xi32, #tpu.memory_space<vmem>>, vector<1x16xi32>,
    %get3A_365 = vector.shape_cast %get3A_364 : vector<1x16xi32> to vector<16xi32>
    %get3A_366 = arith.constant 5 : i64
    %get3A_367 = arith.index_cast %get3A_366 : i64 to index
    %get3A_368 = arith.constant 16 : index
    %get3A_369 = tpu.vector_load %arg16[%get3A_367, %get3A_368] {strides = array<i32>} : memref<6x32xi32, #tpu.memory_space<vmem>>, vector<1x16xi32>,
    %get3A_370 = vector.shape_cast %get3A_369 : vector<1x16xi32> to vector<16xi32>
    %or3A_371 = arith.ori %get3A_365, %get3A_370 : vector<16xi32>
    %min3A_372 = arith.constant 1 : i32
    %min3A_373 = vector.broadcast %min3A_372 : i32 to vector<16xi32>
    %min3A_374 = arith.minsi %or3A_371, %min3A_373 : vector<16xi32>
    %sub3A_375 = arith.constant 1 : i32
    %sub3A_376 = vector.broadcast %sub3A_375 : i32 to vector<16xi32>
    %sub3A_377 = arith.subi %sub3A_376, %min3A_374 : vector<16xi32>
    %swap3A_378 = arith.constant 5 : i64
    %swap3A_379 = arith.index_cast %swap3A_378 : i64 to index
    %swap3A_380 = arith.constant 16 : index
    %swap3A_381 = tpu.vector_load %arg17[%swap3A_379, %swap3A_380] {strides = array<i32>} : memref<6x32xi32, #tpu.memory_space<vmem>>, vector<1x16xi32>,
    %swap3A_382 = vector.shape_cast %swap3A_381 : vector<1x16xi32> to vector<16xi32>
    %swap3A_383 = vector.shape_cast %sub3A_377 : vector<16xi32> to vector<1x16xi32>
    tpu.vector_store %arg17[%swap3A_379, %swap3A_380], %swap3A_383 {strides = array<i32>} : memref<6x32xi32, #tpu.memory_space<vmem>>, vector<1x16xi32>,
    %or3A_384 = arith.ori %or3A_360, %min3A_374 : vector<16xi32>
    %swap3A_385 = arith.constant 5 : i64
    %swap3A_386 = arith.index_cast %swap3A_385 : i64 to index
    %swap3A_387 = arith.constant 0 : index
    %swap3A_388 = tpu.vector_load %arg18[%swap3A_386, %swap3A_387] {strides = array<i32>} : memref<6x16xi32, #tpu.memory_space<vmem>>, vector<1x16xi32>,
    %swap3A_389 = vector.shape_cast %swap3A_388 : vector<1x16xi32> to vector<16xi32>
    %swap3A_390 = vector.shape_cast %or3A_384 : vector<16xi32> to vector<1x16xi32>
    tpu.vector_store %arg18[%swap3A_386, %swap3A_387], %swap3A_390 {strides = array<i32>} : memref<6x16xi32, #tpu.memory_space<vmem>>, vector<1x16xi32>,
    %eq3A_391 = arith.constant 1 : i32
    %eq3A_392 = arith.cmpi eq, %arg0, %eq3A_391 : i32
    %lt3A = arith.constant 12 : i32
    %lt3A_393 = arith.cmpi slt, %arg1, %lt3A : i32
    %and3A_394 = arith.andi %eq3A_392, %lt3A_393 : i1
    %convert_element_type3A_395 = arith.extui %and3A_394 : i1 to i32
    %cond3A_396 = arith.constant 0 : i32
    %cond3A_397 = arith.cmpi ne, %convert_element_type3A_395, %cond3A_396 : i32
    scf.if %cond3A_397 {
      "tpu.region"() ({
        %run_scoped3A = tpu.sem_alloc : memref<!tpu.dma_semaphore, #tpu.memory_space<semaphore_mem>>
        %dma_start3A_398 = arith.constant 0 : i32
        %dma_start3A_399 = arith.constant 0 : i32
        %dma_start3A_400 = tpu.memref_slice %arg9[%min3A_59, %dma_start3A_398, %dma_start3A_399] : memref<12x6x32xi32, #tpu.memory_space<hbm>> -> memref<1x6x32xi32, #tpu.memory_space<hbm>>
        %dma_start3A_401 = tpu.memref_squeeze %dma_start3A_400 : memref<1x6x32xi32, #tpu.memory_space<hbm>> -> memref<6x32xi32, #tpu.memory_space<hbm>>
        %dma_start3A_402 = arith.constant 0 : i32
        %dma_start3A_403 = arith.constant 0 : i32
        %dma_start3A_404 = tpu.memref_slice %arg9[%min3A_59, %dma_start3A_402, %dma_start3A_403] : memref<12x6x32xi32, #tpu.memory_space<hbm>> -> memref<1x6x32xi32, #tpu.memory_space<hbm>>
        %dma_start3A_405 = tpu.memref_squeeze %dma_start3A_404 : memref<1x6x32xi32, #tpu.memory_space<hbm>> -> memref<6x32xi32, #tpu.memory_space<hbm>>
        tpu.enqueue_dma source(%arg17 : memref<6x32xi32, #tpu.memory_space<vmem>>) target(%dma_start3A_405 : memref<6x32xi32, #tpu.memory_space<hbm>>) target_semaphore(%run_scoped3A : memref<!tpu.dma_semaphore, #tpu.memory_space<semaphore_mem>>)
        %dma_wait3A_406 = arith.constant 0 : i32
        %dma_wait3A_407 = arith.constant 0 : i32
        %dma_wait3A_408 = tpu.memref_slice %arg9[%min3A_59, %dma_wait3A_406, %dma_wait3A_407] : memref<12x6x32xi32, #tpu.memory_space<hbm>> -> memref<1x6x32xi32, #tpu.memory_space<hbm>>
        %dma_wait3A_409 = tpu.memref_squeeze %dma_wait3A_408 : memref<1x6x32xi32, #tpu.memory_space<hbm>> -> memref<6x32xi32, #tpu.memory_space<hbm>>
        %dma_wait3A_410 = arith.constant 0 : i32
        %dma_wait3A_411 = arith.constant 0 : i32
        %dma_wait3A_412 = tpu.memref_slice %arg9[%min3A_59, %dma_wait3A_410, %dma_wait3A_411] : memref<12x6x32xi32, #tpu.memory_space<hbm>> -> memref<1x6x32xi32, #tpu.memory_space<hbm>>
        %dma_wait3A_413 = tpu.memref_squeeze %dma_wait3A_412 : memref<1x6x32xi32, #tpu.memory_space<hbm>> -> memref<6x32xi32, #tpu.memory_space<hbm>>
        tpu.wait_dma2 semaphore(%run_scoped3A : memref<!tpu.dma_semaphore, #tpu.memory_space<semaphore_mem>>) src(%arg17 : memref<6x32xi32, #tpu.memory_space<vmem>>) dst(%dma_wait3A_413 : memref<6x32xi32, #tpu.memory_space<hbm>>)
        tpu.yield
      }) : () -> ()
      "tpu.region"() ({
        %run_scoped3A = tpu.sem_alloc : memref<!tpu.dma_semaphore, #tpu.memory_space<semaphore_mem>>
        %dma_start3A_398 = arith.constant 0 : i32
        %dma_start3A_399 = arith.constant 0 : i32
        %dma_start3A_400 = tpu.memref_slice %arg10[%min3A_59, %dma_start3A_398, %dma_start3A_399] : memref<12x6x16xi32, #tpu.memory_space<hbm>> -> memref<1x6x16xi32, #tpu.memory_space<hbm>>
        %dma_start3A_401 = tpu.memref_squeeze %dma_start3A_400 : memref<1x6x16xi32, #tpu.memory_space<hbm>> -> memref<6x16xi32, #tpu.memory_space<hbm>>
        %dma_start3A_402 = arith.constant 0 : i32
        %dma_start3A_403 = arith.constant 0 : i32
        %dma_start3A_404 = tpu.memref_slice %arg10[%min3A_59, %dma_start3A_402, %dma_start3A_403] : memref<12x6x16xi32, #tpu.memory_space<hbm>> -> memref<1x6x16xi32, #tpu.memory_space<hbm>>
        %dma_start3A_405 = tpu.memref_squeeze %dma_start3A_404 : memref<1x6x16xi32, #tpu.memory_space<hbm>> -> memref<6x16xi32, #tpu.memory_space<hbm>>
        tpu.enqueue_dma source(%arg18 : memref<6x16xi32, #tpu.memory_space<vmem>>) target(%dma_start3A_405 : memref<6x16xi32, #tpu.memory_space<hbm>>) target_semaphore(%run_scoped3A : memref<!tpu.dma_semaphore, #tpu.memory_space<semaphore_mem>>)
        %dma_wait3A_406 = arith.constant 0 : i32
        %dma_wait3A_407 = arith.constant 0 : i32
        %dma_wait3A_408 = tpu.memref_slice %arg10[%min3A_59, %dma_wait3A_406, %dma_wait3A_407] : memref<12x6x16xi32, #tpu.memory_space<hbm>> -> memref<1x6x16xi32, #tpu.memory_space<hbm>>
        %dma_wait3A_409 = tpu.memref_squeeze %dma_wait3A_408 : memref<1x6x16xi32, #tpu.memory_space<hbm>> -> memref<6x16xi32, #tpu.memory_space<hbm>>
        %dma_wait3A_410 = arith.constant 0 : i32
        %dma_wait3A_411 = arith.constant 0 : i32
        %dma_wait3A_412 = tpu.memref_slice %arg10[%min3A_59, %dma_wait3A_410, %dma_wait3A_411] : memref<12x6x16xi32, #tpu.memory_space<hbm>> -> memref<1x6x16xi32, #tpu.memory_space<hbm>>
        %dma_wait3A_413 = tpu.memref_squeeze %dma_wait3A_412 : memref<1x6x16xi32, #tpu.memory_space<hbm>> -> memref<6x16xi32, #tpu.memory_space<hbm>>
        tpu.wait_dma2 semaphore(%run_scoped3A : memref<!tpu.dma_semaphore, #tpu.memory_space<semaphore_mem>>) src(%arg18 : memref<6x16xi32, #tpu.memory_space<vmem>>) dst(%dma_wait3A_413 : memref<6x16xi32, #tpu.memory_space<hbm>>)
        tpu.yield
      }) : () -> ()
    } else {
    }
    return
  }
}

</mosaic_0001>

<sc_bundles>
// kernel: kernel.3.cloned.1.call-start
scs
__scs_entry_jumppad:
0x0: {  	(pc) =	sbr.rel $0x88, $3  }
0x1: {  	(tag) =	ssettag $0x0;
	lr =	simm.s32 $0x1  }
0x2: {  	[smem:$0x3F9D] =	sst lr;
	_ =	strace $0xD0000000  }
0x3: {  	_ = 	snop  }
0x4: {  	_ = 	snop  }
0x5: {  	_ = 	snop  }
0x6: {  	_ = 	snop  }
0x7: {  	_ = 	snop  }
__scs_overlays_trampoline_lowered:
0x8: {  	[smem:$0x3FAC] =	sst s0  }
0x9: {  	[smem:$0x3FAD] =	sst s1  }
0xa: {  	[smem:$0x3FAE] =	sst s2  }
0xb: {  	[smem:$0x3FAF] =	sst s3  }
0xc: {  	[smem:$0x3FB0] =	sst s4  }
0xd: {  	[smem:$0x3FB1] =	sst s5  }
0xe: {  	[smem:$0x3FB2] =	sst s6  }
0xf: {  	[smem:$0x3FB3] =	sst s7  }
0x10: {  	[smem:$0x3FB4] =	sst s8  }
0x11: {  	[smem:$0x3FB5] =	sst s9;
	s0 =	simm.s32 @!p0 $0x0  }
0x12: {  	s1 =	sld [smem:$0x3F9B];
	s0 =	simm.s32 @p0 $0x1  }
0x13: {  	[smem:$0x3FB6] =	sst s0;
	s0 =	simm.s32 @!p1 $0x0  }
0x14: {  	s2 =	sld [smem:$0x3F9A];
	s0 =	simm.s32 @p1 $0x1  }
0x15: {  	[smem:$0x3FB7] =	sst s0;
	s0 =	simm.s32 @!p2 $0x0  }
0x16: {  	s3 =	sld [smem:$0x3FDB];
	s0 =	simm.s32 @p2 $0x1  }
0x17: {  	s4 =	simm.s32 $0x1BF5;
	[smem:$0x3FB9] =	sst s0  }
0x18: {  	s0 =	sld [smem:$0x3F9C];
	_ =	swait.ge [sflag:s4], $0x0  }
0x19: {  	s7 =	sld [smem:$0x3F9D]  }
0x1a: {  	s8 =	sadd.s32 $0xFFFFE003, lr  }
0x1b: {  	s9 =	sadd.s32 $0xFFFFFEF7, lr;
	s5 =	simm.s32 $0xFFFFFFFF;
	p2 =	slt.u32 s8, $0xFFFFF086  }
0x1c: {  	p1 =	slt.u32 s9, $0xF7A;
	s5 =	simm.s32 @!p2 $0x0  }
0x1d: {  	s5 =	simm.s32 @p1 $0x1;
	p0 =	seq.s32 s7, s2  }
0x1e: {  	s7 =	smul.u32 @!p0 $0xF7A, s2;
	p2 =	seq.s32 @!p0 s5, $0x0  }
0x1f: {  	s9 =	smul.u32 $0xF7A, s1;
	s8 =	simm.s32 @!p0 $0x1BF5;
	p2 =	por !p2, p0  }
0x20: {  	[sflag:s8] =	ssyncset.s32 @!p0 $0xFFFFF086;
	s6 =	sadd.s32 @!p0 s3, s7;
	s7 =	simm.s32 @!p0 $0x108  }
0x21: {  	s3 =	sadd.s32 s3, s9;
	s6 =	sadd.s32 @!p0 $0x88, s6;
	s7 =	simm.s32 @p2 $0x1082  }
0x22: {  	[simem:s7], [sflag:s8] =	dma.local @!p0 [hbm:s6], $0xF7A  }
0x23: {  	s9 =	sor.u32 $0xD0000000, s2;
	s6 =	simm.s32 $0x108;
	_ =	swait.ge @!p0 [sflag:s8], $0x0  }
0x24: {  	s3 =	sadd.s32 $0x88, s3;
	s6 =	simm.s32 @!p1 $0x1082;
	[sflag:s4] =	ssyncset.s32 $0xFFFFF086  }
0x25: {  	[simem:s6], [sflag:s4] =	dma.local [hbm:s3], $0xF7A  }
0x26: {  	[smem:$0x3F9D] =	sst s1;
	(tag) =	ssettag s2;
	_ =	strace s9  }
0x27: {  	s1 =	sld [smem:$0x3FAD]  }
0x28: {  	s2 =	sld [smem:$0x3FAE]  }
0x29: {  	s4 =	sld [smem:$0x3FB0]  }
0x2a: {  	p0 =	seq.s32 s5, $0x0;
	s5 =	sld [smem:$0x3FB1]  }
0x2b: {  	s6 =	sld [smem:$0x3FB2]  }
0x2c: {  	s7 =	sld [smem:$0x3FB3]  }
0x2d: {  	s3 =	simm.s32 $0x108;
	s8 =	sld [smem:$0x3FB4]  }
0x2e: {  	s3 =	simm.s32 @!p0 $0x1082;
	s9 =	sld [smem:$0x3FB5]  }
0x2f: {  	lr =	sadd.s32 s0, s3;
	s0 =	sld [smem:$0x3FAC]  }
0x30: {  	s3 =	sld [smem:$0x3FAF]  }
0x31: {  	[smem:$0x3FB8] =	sst s10  }
0x32: {  	s10 =	sld [smem:$0x3FB6];
	_ =	sdelay $0x3  }
0x33: {  	p0 =	seq.s32 s10, $0x1;
	s10 =	sld [smem:$0x3FB8];
	_ =	sdelay $0x3  }
0x34: {  	[smem:$0x3FB8] =	sst s10  }
0x35: {  	s10 =	sld [smem:$0x3FB7];
	_ =	sdelay $0x3  }
0x36: {  	p1 =	seq.s32 s10, $0x1;
	s10 =	sld [smem:$0x3FB8];
	_ =	sdelay $0x3  }
0x37: {  	[smem:$0x3FB8] =	sst s10  }
0x38: {  	s10 =	sld [smem:$0x3FB9]  }
0x39: {  	_ = 	snop;
	(pc) =	sbr.ind lr, $3  }
0x3a: {  	_ = 	snop  }
0x3b: {  	_ = 	snop  }
0x3c: {  	p2 =	seq.s32 s10, $0x1;
	s10 =	sld [smem:$0x3FB8]  }
0x3d: {  	_ =	shalt  }
0x3e: {  	_ =	shalt  }
0x3f: {  	_ =	shalt  }
0x40: {  	_ =	shalt  }
0x41: {  	_ =	shalt  }
0x42: {  	_ =	shalt  }
0x43: {  	_ =	shalt  }
0x44: {  	_ =	shalt  }
0x45: {  	_ =	shalt  }
0x46: {  	_ =	shalt  }
0x47: {  	_ =	shalt  }
0x48: {  	_ =	shalt  }
0x49: {  	_ =	shalt  }
0x4a: {  	_ =	shalt  }
0x4b: {  	_ =	shalt  }
0x4c: {  	_ =	shalt  }
0x4d: {  	_ =	shalt  }
0x4e: {  	_ =	shalt  }
0x4f: {  	_ =	shalt  }
0x50: {  	_ =	shalt  }
0x51: {  	_ =	shalt  }
0x52: {  	_ =	shalt  }
0x53: {  	_ =	shalt  }
0x54: {  	_ =	shalt  }
0x55: {  	_ =	shalt  }
0x56: {  	_ =	shalt  }
0x57: {  	_ =	shalt  }
0x58: {  	_ =	shalt  }
0x59: {  	_ =	shalt  }
0x5a: {  	_ =	shalt  }
0x5b: {  	_ =	shalt  }
0x5c: {  	_ =	shalt  }
0x5d: {  	_ =	shalt  }
0x5e: {  	_ =	shalt  }
0x5f: {  	_ =	shalt  }
0x60: {  	_ =	shalt  }
0x61: {  	_ =	shalt  }
0x62: {  	_ =	shalt  }
0x63: {  	_ =	shalt  }
0x64: {  	_ =	shalt  }
0x65: {  	_ =	shalt  }
0x66: {  	_ =	shalt  }
0x67: {  	_ =	shalt  }
0x68: {  	_ =	shalt  }
0x69: {  	_ =	shalt  }
0x6a: {  	_ =	shalt  }
0x6b: {  	_ =	shalt  }
0x6c: {  	_ =	shalt  }
0x6d: {  	_ =	shalt  }
0x6e: {  	_ =	shalt  }
0x6f: {  	_ =	shalt  }
0x70: {  	_ =	shalt  }
0x71: {  	_ =	shalt  }
0x72: {  	_ =	shalt  }
0x73: {  	_ =	shalt  }
0x74: {  	_ =	shalt  }
0x75: {  	_ =	shalt  }
0x76: {  	_ =	shalt  }
0x77: {  	_ =	shalt  }
0x78: {  	_ =	shalt  }
0x79: {  	_ =	shalt  }
0x7a: {  	_ =	shalt  }
0x7b: {  	_ =	shalt  }
0x7c: {  	_ =	shalt  }
0x7d: {  	_ =	shalt  }
0x7e: {  	_ =	shalt  }
0x7f: {  	_ =	shalt  }
0x80: {  	_ =	shalt  }
0x81: {  	_ =	shalt  }
0x82: {  	_ =	shalt  }
0x83: {  	_ =	shalt  }
0x84: {  	_ =	shalt  }
0x85: {  	_ =	shalt  }
0x86: {  	_ =	shalt  }
0x87: {  	_ =	shalt  }
.Lfunc_end0:
.L_simem_size_0:
called_computation_lowered:
.L_overlay_start_0:
0x88: {  	s2 =	sld [smem:$0x3FD9]  }
0x89: {  	s3 =	sld [smem:$0x3FFE];
	_ =	sdelay $0x1  }
0x8a: {  	s1 =	srdreg.scid  }
0x8b: {  	s0 =	sand.u32 $0x1, s1  }
0x8c: {  	s13 =	sshll.u32 s0, $0xA;
	s2 =	sadd.s32 s3, s2  }
0x8d: {  	s2 =	sadd.s32 s2, s13  }
0x8e: {  	[smem:$0x3FC4] =	sst s2  }
0x8f: {  	_ = 	snop  }
0x90: {  	s2 =	sld [smem:$0x3FD0];
	_ =	sdelay $0x2  }
0x91: {  	s6 =	simm.s32 $0xA;
	s14 =	sld [smem:$0x3FC7]  }
0x92: {  	s7 =	simm.s32 $0x10;
	s4 =	sld [smem:$0x3FC6];
	s5 =	sadd.s32 $0x1, s2  }
0x93: {  	[smem:s7], [sflag:s6] =	dma.local [hbm:s5], $0x1  }
0x94: {  	_ =	swait.eq [sflag:s6], $0x1  }
0x95: {  	[sflag:s6] =	ssyncset.done $0x0  }
0x96: {  	[sflag:s6] =	ssyncadd.s32 $0xFFFFFFFF  }
0x97: {  	s15 =	sld [smem:$0x11]  }
0x98: {  	[smem:s7], [sflag:s6] =	dma.local [hbm:s2], $0x1  }
0x99: {  	_ =	swait.eq [sflag:s6], $0x1  }
0x9a: {  	[sflag:s6] =	ssyncset.done $0x0  }
0x9b: {  	s16 =	sld [smem:$0x10];
	[sflag:s6] =	ssyncadd.s32 $0xFFFFFFFF  }
0x9c: {  	s17 =	sld [smem:$0x11];
	(tm) =	ssettm $0x1  }
0x9d: {  	s18 =	sld [smem:$0x3FFB];
	_ =	sdelay $0x3  }
0x9e: {  	_ =	strace s18  }
0x9f: {  	s7 =	sld [smem:$0x3FFC];
	_ =	sdelay $0x3  }
0xa0: {  	_ =	strace s7  }
0xa1: {  	s7 =	sld [smem:$0x3FFD];
	_ =	sdelay $0x3  }
0xa2: {  	_ =	strace s7  }
0xa3: {  	_ =	strace $0x8FFFFFFF  }
0xa4: {  	s19 =	sld [smem:$0x3FDB];
	_ =	sdelay $0x1  }
0xa5: {  	s8 =	simm.s32 $_scs_section_size  }
0xa6: {  	s9 =	simm.s32 $_size__tile_overlayer_lowered;
	s10 =	simm.s32 $_tile_overlayer_lowered  }
0xa7: {  	s22 =	simm.s32 $0x1BFF;
	s21 =	sshll.u32 s10, $0x1;
	s7 =	sadd.s32 s8, s19  }
0xa8: {  	s11 =	simm.s32 $0x0;
	s20 =	sshll.u32 s9, $0x1;
	s9 =	sadd.s32 s21, s7  }
0xa9: {  	[timem:s11], [sflag:s22] =	dma.local [hbm:s9], s20  }
0xaa: {  	_ =	swait.ge [sflag:s22], s20  }
0xab: {  	s8 =	ssub.s32 $0x0, s20;
	[sflag:s22] =	ssyncset.done $0x0  }
0xac: {  	[sflag:s22] =	ssyncadd.s32 s8;
	_ =	sdelay $0x1  }
0xad: {  	s23 =	simm.s32 $0x1B8B  }
0xae: {  	_ =	swait.ge [sflag:s23], $0x1  }
0xaf: {  	[sflag:s23] =	ssyncset.done $0x0  }
0xb0: {  	s25 =	simm.s32 $0x1B8E;
	s24 =	sld [smem:$0x3FFE];
	[sflag:s23] =	ssyncadd.s32 $0xFFFFFFFF  }
0xb1: {  	s26 =	simm.s32 $execute0_lowered;
	[smem:$0x3FD2] =	sst s25  }
0xb2: {  	s9 =	sshll.u32 s26, $0x1;
	_ =	strace $0x80000046;
	[dreg:$0x1] =	wrdreg $0xFFFFFFFF  }
0xb3: {  	s28 =	simm.s32 $_size_execute0_lowered;
	s7 =	sadd.s32 s7, s9;
	[dreg:$0x0] =	wrdreg $0x0  }
0xb4: {  	s9 =	sshll.u32 s28, $0x1;
	[dreg:$0x2] =	wrdreg s7  }
0xb5: {  	[dreg:$0x3] =	wrdreg s9  }
0xb6: {  	[dreg:$0x4] =	wrdreg $0xC0  }
0xb7: {  	_ =	task [dreg:s11], $0x5FFFF  }
0xb8: {  	[dreg:$0x1] =	wrdreg $0xFFFFFFFF  }
0xb9: {  	[dreg:$0x0] =	wrdreg $0x60  }
0xba: {  	[dreg:$0x2] =	wrdreg s4  }
0xbb: {  	[dreg:$0x3] =	wrdreg s24  }
0xbc: {  	[dreg:$0x4] =	wrdreg s14  }
0xbd: {  	[dreg:$0x5] =	wrdreg s15  }
0xbe: {  	[dreg:$0x6] =	wrdreg s16  }
0xbf: {  	[dreg:$0x7] =	wrdreg s17  }
0xc0: {  	[dreg:$0x8] =	wrdreg $0x9  }
0xc1: {  	_ =	task.clear_ibuf [dreg:s11], $0x9FFFF;
	_ =	strace $0x90000046  }
0xc2: {  	s29 =	simm.s32 $0x9;
	_ =	strace $0x80000048  }
0xc3: {  	_ =	swait.ge [sflag:s29], $0x1  }
0xc4: {  	[sflag:s29] =	ssyncadd.s32 $0xFFFFFFFF  }
0xc5: {  	_ =	strace $0x90000048  }
0xc6: {  	_ =	sfence  }
0xc7: {  	s30 =	sld [smem:$0x0];
	_ =	sdelay $0x2  }
0xc8: {  	s31 =	sshll.u32 s1, $0xD;
	s1 =	sshrl.u32 s1, $0x2  }
0xc9: {  	s3 =	sand.u32 $0x4000, s31;
	s1 =	sadd.s32 s1, s30  }
0xca: {  	s0 =	sor.u32 s3, s0;
	s1 =	sshll.u32 s1, $0x11  }
0xcb: {  	s0 =	sor.u32 s1, s0  }
0xcc: {  	s0 =	sadd.s32 $0x8F2B, s0  }
0xcd: {  	[sflag:s0] =	ssyncadd.remote.s32 $0x1  }
0xce: {  	_ =	sfence.sel $0xFFFF  }
0xcf: {  	[dreg:$0x0] =	wrdreg $0xFFFFFFFF;
	(pc) =	sbr.abs _section_cstart, $3  }
0xd0: {  	[dreg:$0x1] =	wrdreg $0xFFFFFFFF  }
0xd1: {  	_ =	task.clear_ibuf [dreg:s11], $0x2FFFF;
	_ =	strace $0x9FFFFFFF  }
0xd2: {  	(tm) =	ssettm $0x7FFFFFFF  }
0xd3: {  	_ =	shalt  }
tec
execute0_lowered:
.L_overlay_start_1:
0x0: {  	(tag) =	ssettag $0x1  }
0x1: {  	s2 =	rddreg [dreg:$0x0]  }
0x2: {  	s9 =	rddreg [dreg:$0x1];
	s1 =	srdreg.scid  }
0x3: {  	s3 =	rddreg [dreg:$0x2];
	s0 =	stileid.u32;
	s7 =	sand.u32 $0x1, s1  }
0x4: {  	s15 =	rddreg [dreg:$0x3];
	s30 =	sshll.u32 s0, $0xA;
	s6 =	sshll.u32 s7, $0x9  }
0x5: {  	s4 =	rddreg [dreg:$0x4];
	s16 =	sor.u32 s6, s30  }
0x6: {  	s5 =	rddreg [dreg:$0x5];
	s6 =	simm.s32 $0x0;
	s8 =	sshrl.u32 s16, $0x3  }
0x7: {  	s10 =	simm.s32 $0x4;
	[smem:$0x7FF] =	sst s6;
	s8 =	sadd.s32 s8, s9  }
0x8: {  	s1 =	rddreg [dreg:$0x6];
	_ =	strace $0x80000047;
	s8 =	sadd.s32 $0x1C00, s8  }
0x9: {  	[tilespmem:s6], [sflag:$0x4] =	stream.linear.gather [hbm4b:s8+s6], $0x200, $0x38;
	[tilespmem:$0x11A80] =	vst v63  }
0xa: {  	_ =	swait.ge [sflag:s10], $0x200  }
0xb: {  	[sflag:s10] =	ssyncset.done $0x0  }
0xc: {  	s11 =	simm.s32 $0x100;
	s12 =	simm.s32 $0x200;
	[sflag:s10] =	ssyncadd.s32 $0xFFFFFE00  }
0xd: {  	[tilespmem:s12], [sflag:$0x1] =	stream.indirect.gather [hbm4b:s2+s11], $0x80, s6, s11, $0xb8;
	[tilespmem:$0x11A80] =	vst v63  }
0xe: {  	s13 =	simm.s32 $0x8200;
	s14 =	simm.s32 $0x1  }
0xf: {  	[tilespmem:s13], [sflag:$0x2] =	stream.indirect.gather [hbm4b:s2+s11], $0x80, s11, s11, $0xb8;
	[tilespmem:$0x11A80] =	vst v63  }
0x10: {  	_ =	swait.ge [sflag:s14], $0x8000  }
0x11: {  	s16 =	sshll.u32 s16, $0x4;
	[sflag:s14] =	ssyncset.done $0x0  }
0x12: {  	s15 =	sadd.s32 s15, s16;
	s16 =	simm.s32 $0x2;
	[sflag:s14] =	ssyncadd.s32 $0xFFFF8000  }
0x13: {  	[hbm4b:s15+s6] =	stream.linear.scatter [tilespmem:s12], [sflag:$0x3], $0x8000, $0x38;
	[tilespmem:$0x11A80] =	vst v63  }
0x14: {  	_ =	swait.ge [sflag:s16], $0x8000  }
0x15: {  	[sflag:s16] =	ssyncset.done $0x0  }
0x16: {  	s17 =	sadd.s32 $0x1000, s15;
	[sflag:s16] =	ssyncadd.s32 $0xFFFF8000  }
0x17: {  	[hbm4b:s17+s6] =	stream.linear.scatter [tilespmem:s13], [sflag:$0x4], $0x8000, $0x38;
	[tilespmem:$0x11A80] =	vst v63  }
0x18: {  	_ =	swait.ge [sflag:s10], $0x8000  }
0x19: {  	[sflag:s10] =	ssyncset.done $0x0  }
0x1a: {  	s18 =	simm.s32 $0x3;
	s19 =	sor.u32 s0, s7;
	[sflag:s10] =	ssyncadd.s32 $0xFFFF8000  }
0x1b: {  	p1 =	sne.s32 s19, $0x0;
	_ =	swait.ge [sflag:s18], $0x8000  }
0x1c: {  	s19 =	simm.s32 @!p1 $0x4;
	[sflag:s18] =	ssyncset.done $0x0  }
0x1d: {  	s20 =	simm.s32 @!p1 $0x0;
	s21 =	simm.s32 @!p1 $0x10200;
	[sflag:s18] =	ssyncadd.s32 $0xFFFF8000  }
0x1e: {  	[tilespmem:s21], [sflag:$0x4] =	stream.linear.gather @!p1 [hbm4b:s2+s20], $0x80, $0x38;
	[tilespmem:$0x11A80] =	vst v63  }
0x1f: {  	_ =	swait.ge @!p1 [sflag:s19], $0x80  }
0x20: {  	[sflag:s19] =	ssyncset.done @!p1 $0x0  }
0x21: {  	[sflag:s19] =	ssyncadd.s32 @!p1 $0xFFFFFF80  }
0x22: {  	[hbm4b:s4+s20] =	stream.linear.scatter @!p1 [tilespmem:s21], [sflag:$0x4], $0x5, $0x38;
	[tilespmem:$0x11A80] =	vst v63  }
0x23: {  	_ =	swait.ge @!p1 [sflag:s19], $0x5  }
0x24: {  	[sflag:s19] =	ssyncset.done @!p1 $0x0  }
0x25: {  	s22 =	simm.s32 @!p1 $0x11280;
	[sflag:s19] =	ssyncadd.s32 @!p1 $0xFFFFFFFB  }
0x26: {  	[tilespmem:s22], [sflag:$0x4] =	stream.linear.gather @!p1 [hbm4b:s3+s20], $0x600, $0x38;
	[tilespmem:$0x11A80] =	vst v63  }
0x27: {  	_ =	swait.ge @!p1 [sflag:s19], $0x600  }
0x28: {  	[sflag:s19] =	ssyncset.done @!p1 $0x0  }
0x29: {  	s23 =	smin.u32 s0, $0xB;
	[sflag:s19] =	ssyncadd.s32 @!p1 $0xFFFFFA00  }
0x2a: {  	[hbm4b:s5+s20] =	stream.linear.scatter @!p1 [tilespmem:s22], [sflag:$0x4], $0x600, $0x38;
	[tilespmem:$0x11A80] =	vst v63  }
0x2b: {  	s23 =	sshll.u32 s23, $0x7;
	_ =	swait.ge @!p1 [sflag:s19], $0x600  }
0x2c: {  	s29 =	sadd.s32 s23, s9;
	[sflag:s19] =	ssyncset.done @!p1 $0x0  }
0x2d: {  	s24 =	simm.s32 $0x10280;
	s23 =	sadd.s32 $0x1600, s29;
	[sflag:s19] =	ssyncadd.s32 @!p1 $0xFFFFFA00  }
0x2e: {  	[tilespmem:s24], [sflag:$0x4] =	stream.linear.gather [hbm4b:s23+s6], $0x300, $0x38;
	[tilespmem:$0x11A80] =	vst v63  }
0x2f: {  	_ =	swait.ge [sflag:s10], $0x300  }
0x30: {  	[sflag:s10] =	ssyncset.done $0x0  }
0x31: {  	s26 =	simm.s32 $0x10680;
	s25 =	sadd.s32 $0x1000, s29;
	[sflag:s10] =	ssyncadd.s32 $0xFFFFFD00  }
0x32: {  	[tilespmem:s26], [sflag:$0x4] =	stream.linear.gather [hbm4b:s25+s6], $0x300, $0x38;
	[tilespmem:$0x11A80] =	vst v63  }
0x33: {  	_ =	swait.ge [sflag:s10], $0x300  }
0x34: {  	[sflag:s10] =	ssyncset.done $0x0  }
0x35: {  	[sflag:s10] =	ssyncadd.s32 $0xFFFFFD00  }
0x36: {  	v3 =	vld [tilespmem:$0x10780]  }
0x37: {  	s31 =	ssub.s32 $0x2, s7;
	v0 =	vld [tilespmem:$0x10890]  }
0x38: {  	s28 =	sshrl.u32 s31, $0x1;
	v1 =	vld [tilespmem:$0x10880]  }
0x39: {  	s9 =	ssub.s32 s31, s28;
	v7 =	vld [tilespmem:$0x10710]  }
0x3a: {  	s9 =	smax.u32 s9, $0x1;
	v2 =	vld [tilespmem:$0x10810]  }
0x3b: {  	p2 =	slt.u32 s0, $0xC;
	p0 =	seq.s32 s7, $0x1;
	s28 =	sadd.s32 $0xFFFFFFFF, s9;
	v5 =	vld [tilespmem:$0x10380]  }
0x3c: {  	p0 =	por !p2, !p0;
	p2 =	sne.s32 s28, $0x0;
	v10 =	vld [tilespmem:$0x10310]  }
.Ltmp0:
0x3d: {  	v9 =	vld [tilespmem:$0x10690];
	(pc) =	sbr.rel @!p2 .LBB2_2-.Ltmp0, $4  }
0x3e: {  	v11 =	vld [tilespmem:$0x10290]  }
0x3f: {  	v6 =	vld [tilespmem:$0x10390]  }
0x40: {  	v8 =	vld [tilespmem:$0x10790]  }
0x41: {  	p0 =	por !p0, !p0;
	s7 =	sadd.s32 $0x2400, s29;
	s9 =	sadd.s32 $0x2A00, s29;
	v4 =	vld [tilespmem:$0x10400]  }
.LBB2_1:
0x42: {  	s28 =	sadd.s32 $0xFFFFFFFF, s28;
	v7 =	vor.u32 v10, v7;
	v10 =	vld [tilespmem:$0x10800]  }
0x43: {  	v3 =	vor.u32 v5, v3;
	p2 =	sne.s32 s28, $0x0;
	v9 =	vor.u32 v11, v9;
	vm0 =	vlt.s32 v7, $0x1;
	v5 =	vld [tilespmem:$0x10410]  }
0x44: {  	vm1 =	vlt.s32 v9, $0x1;
	v7 =	vnsel vm0, $0x1, v7;
	vm0 =	vlt.s32 v3, $0x1;
	v11 =	vld [tilespmem:$0x10500]  }
0x45: {  	v9 =	vnsel vm1, $0x1, v9;
	v12 =	vsub.s32 $0x1, v7;
	v6 =	vor.u32 v6, v8;
	v8 =	vld [tilespmem:$0x10900]  }
0x46: {  	v3 =	vnsel vm0, $0x1, v3;
	v13 =	vsub.s32 $0x1, v9;
	[tilespmem:$0x10B10] =	vst v12;
	vm0 =	vlt.s32 v6, $0x1;
	v12 =	vld [tilespmem:$0x10480]  }
0x47: {  	[tilespmem:$0x10A90] =	vst v13;
	v13 =	vsub.s32 $0x1, v3;
	v6 =	vnsel vm0, $0x1, v6;
	v4 =	vor.u32 v4, v10;
	v10 =	vld [tilespmem:$0x10490]  }
0x48: {  	[tilespmem:$0x10B80] =	vst v13;
	v3 =	vor.u32 v3, v6;
	vm0 =	vlt.s32 v4, $0x1;
	v2 =	vor.u32 v5, v2;
	v5 =	vld [tilespmem:$0x10510]  }
0x49: {  	v6 =	vsub.s32 $0x1, v6;
	v13 =	vld [tilespmem:$0x10680];
	v4 =	vnsel vm0, $0x1, v4;
	vm0 =	vlt.s32 v2, $0x1  }
0x4a: {  	[tilespmem:$0x10F80] =	vst v3;
	v3 =	vsub.s32 $0x1, v4;
	v2 =	vnsel vm0, $0x1, v2;
	v8 =	vor.u32 v11, v8;
	v11 =	vld [tilespmem:$0x10910]  }
0x4b: {  	v14 =	vld [tilespmem:$0x10280];
	[tilespmem:$0x10B90] =	vst v6;
	v6 =	vsub.s32 $0x1, v2;
	v2 =	vor.u32 v4, v2;
	v1 =	vor.u32 v12, v1  }
0x4c: {  	vm1 =	vlt.s32 v8, $0x1;
	[tilespmem:$0x10C10] =	vst v6;
	vm0 =	vlt.s32 v1, $0x1;
	v0 =	vor.u32 v10, v0  }
0x4d: {  	[tilespmem:$0x10C00] =	vst v3;
	v1 =	vnsel vm0, $0x1, v1;
	vm0 =	vlt.s32 v0, $0x1  }
0x4e: {  	v3 =	vld [tilespmem:$0x10700];
	[tilespmem:$0x11000] =	vst v2;
	v2 =	vsub.s32 $0x1, v1;
	v0 =	vnsel vm0, $0x1, v0  }
0x4f: {  	v4 =	vld [tilespmem:$0x10300];
	[tilespmem:$0x10C80] =	vst v2;
	v2 =	vsub.s32 $0x1, v0;
	v0 =	vor.u32 v1, v0;
	v1 =	vor.u32 v5, v11  }
0x50: {  	v5 =	vor.u32 v14, v13;
	[tilespmem:$0x11080] =	vst v0;
	vm0 =	vlt.s32 v1, $0x1  }
0x51: {  	v0 =	vnsel vm1, $0x1, v8;
	vm2 =	vlt.s32 v5, $0x1;
	[tilespmem:$0x10C90] =	vst v2;
	v1 =	vnsel vm0, $0x1, v1  }
0x52: {  	v2 =	vnsel vm2, $0x1, v5;
	v5 =	vor.u32 v0, v1  }
0x53: {  	v0 =	vsub.s32 $0x1, v0;
	v6 =	vsub.s32 $0x1, v2;
	v2 =	vor.u32 v2, v9;
	[tilespmem:$0x11100] =	vst v5  }
0x54: {  	v1 =	vsub.s32 $0x1, v1;
	[tilespmem:$0x10E80] =	vst v2;
	v2 =	vor.u32 v4, v3  }
0x55: {  	vm0 =	vlt.s32 v2, $0x1;
	[tilespmem:$0x10D10] =	vst v1  }
0x56: {  	v1 =	vnsel vm0, $0x1, v2;
	[tilespmem:$0x10D00] =	vst v0  }
0x57: {  	[tilespmem:$0x10A80] =	vst v6;
	v0 =	vsub.s32 $0x1, v1;
	v1 =	vor.u32 v1, v7  }
0x58: {  	s29 =	simm.s32 @p0 $0x0;
	s30 =	simm.s32 @p0 $0x10A80;
	[tilespmem:$0x10F00] =	vst v1  }
0x59: {  	s31 =	simm.s32 @p0 $0x4;
	[tilespmem:$0x10B00] =	vst v0  }
0x5a: {  	[hbm4b:s9+s29] =	stream.linear.scatter @p0 [tilespmem:s30], [sflag:$0x4], $0x300, $0x38;
	[tilespmem:$0x11A80] =	vst v63  }
0x5b: {  	_ =	swait.ge @p0 [sflag:s31], $0x300  }
0x5c: {  	s30 =	simm.s32 @p0 $0x10E80;
	[sflag:s31] =	ssyncset.done @p0 $0x0  }
0x5d: {  	[sflag:s31] =	ssyncadd.s32 @p0 $0xFFFFFD00  }
0x5e: {  	[hbm4b:s7+s29] =	stream.linear.scatter @p0 [tilespmem:s30], [sflag:$0x4], $0x300, $0x38;
	[tilespmem:$0x11A80] =	vst v63  }
0x5f: {  	_ =	swait.ge @p0 [sflag:s31], $0x300  }
0x60: {  	[sflag:s31] =	ssyncset.done @p0 $0x0  }
0x61: {  	[sflag:s31] =	ssyncadd.s32 @p0 $0xFFFFFD00  }
0x62: {  	[tilespmem:s6], [sflag:$0x4] =	stream.linear.gather [hbm4b:s8+s6], $0x200, $0x38;
	[tilespmem:$0x11A80] =	vst v63  }
0x63: {  	_ =	swait.ge [sflag:s10], $0x200  }
0x64: {  	[sflag:s10] =	ssyncset.done $0x0  }
0x65: {  	[sflag:s10] =	ssyncadd.s32 $0xFFFFFE00  }
0x66: {  	[tilespmem:s12], [sflag:$0x1] =	stream.indirect.gather [hbm4b:s2+s11], $0x80, s6, s11, $0xb8;
	[tilespmem:$0x11A80] =	vst v63  }
0x67: {  	_ = 	snop  }
0x68: {  	[tilespmem:s13], [sflag:$0x2] =	stream.indirect.gather [hbm4b:s2+s11], $0x80, s11, s11, $0xb8;
	[tilespmem:$0x11A80] =	vst v63  }
0x69: {  	_ =	swait.ge [sflag:s14], $0x8000  }
0x6a: {  	[sflag:s14] =	ssyncset.done $0x0  }
0x6b: {  	[sflag:s14] =	ssyncadd.s32 $0xFFFF8000  }
0x6c: {  	[hbm4b:s15+s6] =	stream.linear.scatter [tilespmem:s12], [sflag:$0x3], $0x8000, $0x38;
	[tilespmem:$0x11A80] =	vst v63  }
0x6d: {  	_ =	swait.ge [sflag:s16], $0x8000  }
0x6e: {  	[sflag:s16] =	ssyncset.done $0x0  }
0x6f: {  	[sflag:s16] =	ssyncadd.s32 $0xFFFF8000  }
0x70: {  	[hbm4b:s17+s6] =	stream.linear.scatter [tilespmem:s13], [sflag:$0x4], $0x8000, $0x38;
	[tilespmem:$0x11A80] =	vst v63  }
0x71: {  	_ =	swait.ge [sflag:s10], $0x8000  }
0x72: {  	[sflag:s10] =	ssyncset.done $0x0  }
0x73: {  	[sflag:s10] =	ssyncadd.s32 $0xFFFF8000  }
0x74: {  	_ =	swait.ge [sflag:s18], $0x8000  }
0x75: {  	[sflag:s18] =	ssyncset.done $0x0  }
0x76: {  	[sflag:s18] =	ssyncadd.s32 $0xFFFF8000  }
0x77: {  	[tilespmem:s21], [sflag:$0x4] =	stream.linear.gather @!p1 [hbm4b:s2+s20], $0x80, $0x38;
	[tilespmem:$0x11A80] =	vst v63  }
0x78: {  	_ =	swait.ge @!p1 [sflag:s19], $0x80  }
0x79: {  	[sflag:s19] =	ssyncset.done @!p1 $0x0  }
0x7a: {  	[sflag:s19] =	ssyncadd.s32 @!p1 $0xFFFFFF80  }
0x7b: {  	[hbm4b:s4+s20] =	stream.linear.scatter @!p1 [tilespmem:s21], [sflag:$0x4], $0x5, $0x38;
	[tilespmem:$0x11A80] =	vst v63  }
0x7c: {  	_ =	swait.ge @!p1 [sflag:s19], $0x5  }
0x7d: {  	[sflag:s19] =	ssyncset.done @!p1 $0x0  }
0x7e: {  	[sflag:s19] =	ssyncadd.s32 @!p1 $0xFFFFFFFB  }
0x7f: {  	[tilespmem:s22], [sflag:$0x4] =	stream.linear.gather @!p1 [hbm4b:s3+s20], $0x600, $0x38;
	[tilespmem:$0x11A80] =	vst v63  }
0x80: {  	_ =	swait.ge @!p1 [sflag:s19], $0x600  }
0x81: {  	[sflag:s19] =	ssyncset.done @!p1 $0x0  }
0x82: {  	[sflag:s19] =	ssyncadd.s32 @!p1 $0xFFFFFA00  }
0x83: {  	[hbm4b:s5+s20] =	stream.linear.scatter @!p1 [tilespmem:s22], [sflag:$0x4], $0x600, $0x38;
	[tilespmem:$0x11A80] =	vst v63  }
0x84: {  	_ =	swait.ge @!p1 [sflag:s19], $0x600  }
0x85: {  	[sflag:s19] =	ssyncset.done @!p1 $0x0  }
0x86: {  	[sflag:s19] =	ssyncadd.s32 @!p1 $0xFFFFFA00  }
0x87: {  	[tilespmem:s24], [sflag:$0x4] =	stream.linear.gather [hbm4b:s23+s6], $0x300, $0x38;
	[tilespmem:$0x11A80] =	vst v63  }
0x88: {  	_ =	swait.ge [sflag:s10], $0x300  }
0x89: {  	[sflag:s10] =	ssyncset.done $0x0  }
0x8a: {  	[sflag:s10] =	ssyncadd.s32 $0xFFFFFD00  }
0x8b: {  	[tilespmem:s26], [sflag:$0x4] =	stream.linear.gather [hbm4b:s25+s6], $0x300, $0x38;
	[tilespmem:$0x11A80] =	vst v63  }
0x8c: {  	_ =	swait.ge [sflag:s10], $0x300  }
0x8d: {  	[sflag:s10] =	ssyncset.done $0x0  }
0x8e: {  	[sflag:s10] =	ssyncadd.s32 $0xFFFFFD00  }
0x8f: {  	v3 =	vld [tilespmem:$0x10780]  }
0x90: {  	v0 =	vld [tilespmem:$0x10890]  }
0x91: {  	v1 =	vld [tilespmem:$0x10880]  }
0x92: {  	v7 =	vld [tilespmem:$0x10710]  }
0x93: {  	v2 =	vld [tilespmem:$0x10810]  }
0x94: {  	v5 =	vld [tilespmem:$0x10380]  }
0x95: {  	v10 =	vld [tilespmem:$0x10310]  }
.Ltmp1:
0x96: {  	v9 =	vld [tilespmem:$0x10690];
	(pc) =	sbr.rel @p2 .LBB2_1-.Ltmp1, $4  }
0x97: {  	v11 =	vld [tilespmem:$0x10290]  }
0x98: {  	v6 =	vld [tilespmem:$0x10390]  }
0x99: {  	v8 =	vld [tilespmem:$0x10790]  }
0x9a: {  	v4 =	vld [tilespmem:$0x10400]  }
.LBB2_2:
0x9b: {  	v12 =	vld [tilespmem:$0x10800]  }
0x9c: {  	v41 =	vld [tilespmem:$0x10410]  }
0x9d: {  	v42 =	vld [tilespmem:$0x10500]  }
0x9e: {  	v43 =	vld [tilespmem:$0x10900]  }
0x9f: {  	v7 =	vor.u32 v10, v7;
	v44 =	vld [tilespmem:$0x10480]  }
0xa0: {  	v3 =	vor.u32 v5, v3;
	v15 =	vld [tilespmem:$0x10490];
	v9 =	vor.u32 v11, v9;
	vm0 =	vlt.s32 v7, $0x1  }
0xa1: {  	v46 =	vld [tilespmem:$0x10510];
	vm7 =	vlt.s32 v3, $0x1;
	vm1 =	vlt.s32 v9, $0x1;
	v7 =	vnsel vm0, $0x1, v7  }
0xa2: {  	v47 =	vld [tilespmem:$0x10680];
	v3 =	vnsel vm7, $0x1, v3;
	v9 =	vnsel vm1, $0x1, v9;
	v6 =	vor.u32 v6, v8  }
0xa3: {  	v48 =	vld [tilespmem:$0x10910];
	v13 =	vsub.s32 $0x1, v7;
	v45 =	vsub.s32 $0x1, v3;
	vm8 =	vlt.s32 v6, $0x1  }
0xa4: {  	v50 =	vld [tilespmem:$0x10280];
	v14 =	vsub.s32 $0x1, v9;
	[tilespmem:$0x10B10] =	vst v13;
	v6 =	vnsel vm8, $0x1, v6;
	v4 =	vor.u32 v4, v12  }
0xa5: {  	[tilespmem:$0x10B80] =	vst v45;
	v2 =	vor.u32 v41, v2;
	v5 =	vor.u32 v42, v43;
	v1 =	vor.u32 v44, v1  }
0xa6: {  	[tilespmem:$0x10A90] =	vst v14;
	v0 =	vor.u32 v15, v0;
	v3 =	vor.u32 v3, v6;
	vm10 =	vlt.s32 v2, $0x1  }
0xa7: {  	vm9 =	vlt.s32 v4, $0x1;
	v6 =	vsub.s32 $0x1, v6;
	[tilespmem:$0x10F80] =	vst v3;
	v2 =	vnsel vm10, $0x1, v2  }
0xa8: {  	v56 =	vor.u32 v46, v48;
	v4 =	vnsel vm9, $0x1, v4;
	[tilespmem:$0x10B90] =	vst v6;
	v51 =	vsub.s32 $0x1, v2  }
0xa9: {  	v57 =	vor.u32 v50, v47;
	vm11 =	vlt.s32 v1, $0x1;
	v49 =	vsub.s32 $0x1, v4;
	[tilespmem:$0x10C10] =	vst v51  }
0xaa: {  	v52 =	vld [tilespmem:$0x10700];
	vm12 =	vlt.s32 v0, $0x1;
	v1 =	vnsel vm11, $0x1, v1;
	v2 =	vor.u32 v4, v2;
	[tilespmem:$0x10C00] =	vst v49  }
0xab: {  	v54 =	vld [tilespmem:$0x10300];
	vm2 =	vlt.s32 v5, $0x1;
	v0 =	vnsel vm12, $0x1, v0;
	v53 =	vsub.s32 $0x1, v1;
	[tilespmem:$0x11000] =	vst v2  }
0xac: {  	vm13 =	vlt.s32 v56, $0x1;
	v55 =	vsub.s32 $0x1, v0;
	v0 =	vor.u32 v1, v0;
	[tilespmem:$0x10C80] =	vst v53  }
0xad: {  	vm14 =	vlt.s32 v57, $0x1;
	v58 =	vnsel vm2, $0x1, v5;
	v59 =	vnsel vm13, $0x1, v56;
	[tilespmem:$0x11080] =	vst v0  }
0xae: {  	v1 =	vnsel vm14, $0x1, v57;
	v5 =	vor.u32 v58, v59;
	[tilespmem:$0x10C90] =	vst v55  }
0xaf: {  	v60 =	vor.u32 v1, v9;
	[tilespmem:$0x11100] =	vst v5  }
0xb0: {  	v3 =	vor.u32 v54, v52;
	v2 =	vsub.s32 $0x1, v59;
	[tilespmem:$0x10E80] =	vst v60  }
0xb1: {  	vm15 =	vlt.s32 v3, $0x1;
	v0 =	vsub.s32 $0x1, v58;
	[tilespmem:$0x10D10] =	vst v2  }
0xb2: {  	v1 =	vsub.s32 $0x1, v1;
	v61 =	vnsel vm15, $0x1, v3;
	[tilespmem:$0x10D00] =	vst v0  }
0xb3: {  	[tilespmem:$0x10A80] =	vst v1;
	v62 =	vor.u32 v61, v7  }
0xb4: {  	v63 =	vsub.s32 $0x1, v61;
	[tilespmem:$0x10F00] =	vst v62  }
0xb5: {  	s2 =	simm.s32 @p0 $0x0;
	s3 =	simm.s32 @p0 $0x10A80;
	s4 =	simm.s32 @p0 $0x4;
	[tilespmem:$0x10B00] =	vst v63  }
0xb6: {  	[hbm4b:s9+s2] =	stream.linear.scatter @p0 [tilespmem:s3], [sflag:$0x4], $0x300, $0x38;
	[tilespmem:$0x11A80] =	vst v63  }
0xb7: {  	_ =	swait.ge @p0 [sflag:s4], $0x300  }
0xb8: {  	[sflag:s4] =	ssyncset.done @p0 $0x0  }
0xb9: {  	s3 =	simm.s32 @p0 $0x10E80;
	[sflag:s4] =	ssyncadd.s32 @p0 $0xFFFFFD00  }
0xba: {  	[hbm4b:s7+s2] =	stream.linear.scatter @p0 [tilespmem:s3], [sflag:$0x4], $0x300, $0x38;
	[tilespmem:$0x11A80] =	vst v63  }
0xbb: {  	_ =	swait.ge @p0 [sflag:s4], $0x300  }
0xbc: {  	[sflag:s4] =	ssyncset.done @p0 $0x0  }
0xbd: {  	[sflag:s4] =	ssyncadd.s32 @p0 $0xFFFFFD00  }
0xbe: {  	_ =	sfence.sel $0x180000  }
0xbf: {  	[bflag:$0x0] =	sbarrier.arrive $0xFFFF  }
0xc0: {  	p0 =	sne.s32 s0, $0x0;
	_ =	strace $0x90000047  }
0xc1: {  	s0 =	sadd.s32 @!p0 $0x100000, s1;
	[bflag:$0x2] =	sbarrier.arrive $0xFFFF  }
0xc2: {  	[sflag:s0] =	ssyncadd.tile.s32 @!p0 $0x1;
	_ =	shalt  }
.Lfunc_end2:
_tile_overlayer_lowered:
.L_overlay_start_2:
0xc3: {  	(tag) =	ssettag $0x2  }
0xc4: {  	s0 =	rddreg [dreg:$0x0];
	s2 =	stileid.u32  }
0xc5: {  	s1 =	rddreg [dreg:$0x1];
	p0 =	sne.s32 s2, $0x0  }
0xc6: {  	s3 =	rddreg [dreg:$0x2];
	[bflag:$0x3] =	sbarrier.arrive $0xFFFF;
	s2 =	simm.s32 @!p0 $0x1C04  }
0xc7: {  	[timem:s3], [sflag:s2] =	dma.local @!p0 [hbm:s0], s1  }
0xc8: {  	s0 =	simm.s32 @!p0 $0x4  }
0xc9: {  	_ =	swait.ge @!p0 [sflag:s0], s1  }
0xca: {  	s1 =	ssub.s32 @!p0 $0x0, s1;
	[sflag:s0] =	ssyncset.done @!p0 $0x0  }
0xcb: {  	[sflag:s0] =	ssyncadd.s32 @!p0 s1  }
0xcc: {  	[bflag:$0x3] =	sbarrier.arrive $0xFFFF  }
0xcd: {  	_ =	shalt  }

</sc_bundles>
